<compile_context>
chip_gen: v7x
topology: tpu7x:2x2x1
jax: 0.10.2.dev20260603
libtpu: 0.0.44.dev20260713+nightly
codegen_flags: <defaults>
</compile_context>

<pallas_src>
import functools

import jax
import jax.numpy as jnp
from jax import lax
from jax.experimental import pallas as pl
from jax.experimental.pallas import tpu as pltpu


def _smoe_kernel(x_hbm, rw_ref, wall_ref, sel_ref, map_ref, idx_ref,
                 xbuf, pp_ref, sems, *,
                 jblocks, nsteps, seg, slab, W, E, K, C):
    s = pl.program_id(0)

    def copy_for(t):
        b = t // jblocks
        j = t - b * jblocks
        return pltpu.make_async_copy(
            x_hbm.at[b, :, pl.ds(j * seg, slab)],
            xbuf.at[t % 2],
            sems.at[t % 2],
        )

    @pl.when(s == 0)
    def _prologue():
        copy_for(0).start()

    @pl.when(s + 1 < nsteps)
    def _prefetch():
        copy_for(s + 1).start()

    copy_for(s).wait()

    pp_ref[...] = jnp.dot(wall_ref[...], xbuf[s % 2],
                          preferred_element_type=jnp.float32)

    wpos = lax.broadcasted_iota(jnp.int32, (1, seg), 1) % W
    acc = None
    for t in range(9):
        dy, dx = divmod(t, 3)
        off = dy * W + dx
        part = pp_ref[t * E:(t + 1) * E, off:off + seg]
        if dx == 0:
            part = jnp.where(wpos == 0, 0.0, part)
        elif dx == 2:
            part = jnp.where(wpos == W - 1, 0.0, part)
        acc = part if acc is None else acc + part

    rw = rw_ref[0]
    iota = lax.broadcasted_iota(jnp.int32, (E, seg), 0)
    neg_inf = jnp.float32(-jnp.inf)
    for k in range(K):
        m = jnp.max(rw, axis=0)
        eq = rw == m[None]
        amax = jnp.min(jnp.where(eq, iota, E), axis=0)
        hit = iota == amax[None]
        sel = jnp.sum(jnp.where(hit, acc, 0.0), axis=0)
        sel_ref[0, k] = sel * m
        map_ref[0, k] = m
        idx_ref[0, k] = amax
        if k + 1 < K:
            rw = jnp.where(hit, neg_inf, rw)


def kernel(x, routing_weights, Wc):
    B, C, H, W = x.shape
    E = Wc.shape[0]
    K = 8
    HW = H * W
    h_t = 16 if H % 16 == 0 else H
    jblocks = H // h_t
    seg = h_t * W
    halo = W + 2
    slab = ((seg + 2 * halo + 127) // 128) * 128
    nsteps = B * jblocks

    L = (nsteps // B - 1) * seg + slab
    x_flat = x.reshape(B, C, HW).astype(jnp.bfloat16)
    F = jnp.pad(x_flat, ((0, 0), (0, 0), (W + 1, L - (W + 1) - HW)))
    rw_flat = routing_weights.reshape(B, E, HW)
    wall = jnp.transpose(Wc, (2, 3, 0, 1)).reshape(9 * E, C).astype(jnp.bfloat16)

    body = functools.partial(
        _smoe_kernel, jblocks=jblocks, nsteps=nsteps,
        seg=seg, slab=slab, W=W, E=E, K=K, C=C)

    out_shape = [
        jax.ShapeDtypeStruct((B, K, HW), jnp.float32),
        jax.ShapeDtypeStruct((B, K, HW), jnp.float32),
        jax.ShapeDtypeStruct((B, K, HW), jnp.int32),
    ]
    out_spec = pl.BlockSpec(
        (1, K, seg), lambda s: (s // jblocks, 0, s % jblocks))

    sel, rmap, ridx = pl.pallas_call(
        body,
        grid=(nsteps,),
        in_specs=[
            pl.BlockSpec(memory_space=pl.ANY),
            pl.BlockSpec((1, E, seg),
                         lambda s: (s // jblocks, 0, s % jblocks)),
            pl.BlockSpec((9 * E, C), lambda s: (0, 0)),
        ],
        out_specs=[out_spec, out_spec, out_spec],
        out_shape=out_shape,
        scratch_shapes=[
            pltpu.VMEM((2, C, slab), jnp.bfloat16),
            pltpu.VMEM((9 * E, slab), jnp.float32),
            pltpu.SemaphoreType.DMA((2,)),
        ],
        compiler_params=pltpu.CompilerParams(
            dimension_semantics=("arbitrary",)),
    )(F, rw_flat, wall)
    shape4 = (B, K, H, W)
    return (sel.reshape(shape4), rmap.reshape(shape4), ridx.reshape(shape4))

# --- scband reference (transcript-rebuilt; emitter-appended) ---
"""Pipeline reference for scband-spatial-mo-e2d-76476187672690 (READ-ONLY COPY).

The authoritative reference and input builder live on the scoring server;
editing this copy changes nothing except your own understanding.
"""

import jax, jax.numpy as jnp
import numpy as np

B, C, H, W_sp = 2, 384, 224, 224
E = 64          # num_experts
K = 8           # out_planes (experts selected per spatial location)
KS = 3          # kernel_size, padding=1


def setup_inputs(seed: int = 0) -> dict:
    key = jax.random.key(seed)
    k1, k2, k3 = jax.random.split(key, 3)
    x = jax.random.normal(k1, (B, C, H, W_sp), dtype=jnp.float32)
    routing_weights = jax.random.uniform(k2, (B, E, H, W_sp), dtype=jnp.float32)
    # expert conv weight: Conv2d(in_planes=C, out_channels=E, kernel_size=3, padding=1, bias=False)
    Wc = jax.random.normal(k3, (E, C, KS, KS), dtype=jnp.float32) * 0.02
    return {"x": x, "routing_weights": routing_weights, "Wc": Wc}


def reference(x, routing_weights, Wc):
    # experts = self.experts(x): conv2d, no bias, padding=1
    experts = jax.lax.conv_general_dilated(
        x, Wc,
        window_strides=(1, 1),
        padding=((1, 1), (1, 1)),
        dimension_numbers=("NCHW", "OIHW", "NCHW"),
    )  # [B, E, H, W]
    # SMoERouting: per spatial location, select top out_planes experts by routing weight
    rw = jnp.transpose(routing_weights, (0, 2, 3, 1))  # [B, H, W, E]
    vals, idx = jax.lax.top_k(rw, K)                   # [B, H, W, K]
    ex = jnp.transpose(experts, (0, 2, 3, 1))          # [B, H, W, E]
    sel = jnp.take_along_axis(ex, idx, axis=-1) * vals # gather selected experts, scale by routing weight
    selected_experts = jnp.transpose(sel, (0, 3, 1, 2))   # [B, K, H, W]
    routing_map = jnp.transpose(vals, (0, 3, 1, 2))        # [B, K, H, W]
    routing_indices = jnp.transpose(idx, (0, 3, 1, 2))     # [B, K, H, W] int32
    return (selected_experts, routing_map, routing_indices)

if __name__ == "__main__":
    import jax
    _d = setup_inputs()
    print(jax.jit(kernel)(*tuple(_d.values())))

</pallas_src>

<mosaic_0001>
module attributes {stable_mosaic.version = 14 : i64} {
  func.func @_smoe_kernel(%arg0: i32, %arg1: memref<2x384x50688xbf16, #tpu.memory_space<any>>, %arg2: memref<1x64x3584xf32, #tpu.memory_space<vmem>>, %arg3: memref<576x384xbf16, #tpu.memory_space<vmem>>, %arg4: memref<1x8x3584xf32, #tpu.memory_space<vmem>>, %arg5: memref<1x8x3584xf32, #tpu.memory_space<vmem>>, %arg6: memref<1x8x3584xi32, #tpu.memory_space<vmem>>, %arg7: memref<2x384x4096xbf16, #tpu.memory_space<vmem>>, %arg8: memref<576x4096xf32, #tpu.memory_space<vmem>>, %arg9: memref<2x!tpu.dma_semaphore, #tpu.memory_space<semaphore_mem>>) attributes {dimension_semantics = [#tpu.dimension_semantics<arbitrary>], iteration_bounds = array<i64: 28>, scalar_prefetch = 0 : i64, scratch_operands = 3 : i64, tpu.core_type = #tpu.core_type<tc>, window_params = [{}, {transform_indices = @transform_1, window_bounds = array<i64: 1, 64, 3584>}, {pipeline_mode = #tpu.pipeline_mode<synchronous>, transform_indices = @transform_2, window_bounds = array<i64: 576, 384>}, {transform_indices = @transform_3, window_bounds = array<i64: 1, 8, 3584>}, {transform_indices = @transform_4, window_bounds = array<i64: 1, 8, 3584>}, {transform_indices = @transform_5, window_bounds = array<i64: 1, 8, 3584>}]} {
    %eq3A = arith.constant 0 : i32
    %eq3A_0 = arith.cmpi eq, %arg0, %eq3A : i32
    %convert_element_type3A = arith.extui %eq3A_0 : i1 to i32
    %cond3A = arith.constant 0 : i32
    %cond3A_1 = arith.cmpi ne, %convert_element_type3A, %cond3A : i32
    scf.if %cond3A_1 {
      %dma_start3A = arith.constant 0 : i32
      %dma_start3A_517 = arith.constant 0 : i32
      %dma_start3A_518 = arith.constant 0 : i32
      %dma_start3A_519 = tpu.memref_slice %arg9[%dma_start3A_518] : memref<2x!tpu.dma_semaphore, #tpu.memory_space<semaphore_mem>> -> memref<1x!tpu.dma_semaphore, #tpu.memory_space<semaphore_mem>>
      %dma_start3A_520 = tpu.memref_squeeze %dma_start3A_519 : memref<1x!tpu.dma_semaphore, #tpu.memory_space<semaphore_mem>> -> memref<!tpu.dma_semaphore, #tpu.memory_space<semaphore_mem>>
      %dma_start3A_521 = arith.constant 0 : i32
      %dma_start3A_522 = arith.constant 0 : i32
      %dma_start3A_523 = tpu.memref_slice %arg7[%dma_start3A_517, %dma_start3A_521, %dma_start3A_522] : memref<2x384x4096xbf16, #tpu.memory_space<vmem>> -> memref<1x384x4096xbf16, #tpu.memory_space<vmem>>
      %dma_start3A_524 = tpu.memref_squeeze %dma_start3A_523 : memref<1x384x4096xbf16, #tpu.memory_space<vmem>> -> memref<384x4096xbf16, #tpu.memory_space<vmem>>
      %dma_start3A_525 = arith.constant 0 : i32
      %dma_start3A_526 = arith.constant 0 : i32
      %dma_start3A_527 = tpu.memref_slice %arg1[%dma_start3A, %dma_start3A_525, %dma_start3A_526] : memref<2x384x50688xbf16, #tpu.memory_space<any>> -> memref<1x384x4096xbf16, #tpu.memory_space<any>>
      %dma_start3A_528 = tpu.memref_squeeze %dma_start3A_527 : memref<1x384x4096xbf16, #tpu.memory_space<any>> -> memref<384x4096xbf16, #tpu.memory_space<any>>
      tpu.enqueue_dma source(%dma_start3A_528 : memref<384x4096xbf16, #tpu.memory_space<any>>) target(%dma_start3A_524 : memref<384x4096xbf16, #tpu.memory_space<vmem>>) target_semaphore(%dma_start3A_520 : memref<!tpu.dma_semaphore, #tpu.memory_space<semaphore_mem>>)
    } else {
    }
    %add3A = arith.constant 1 : i32
    %add3A_2 = arith.addi %arg0, %add3A : i32
    %lt3A = arith.constant 28 : i32
    %lt3A_3 = arith.cmpi slt, %add3A_2, %lt3A : i32
    %convert_element_type3A_4 = arith.extui %lt3A_3 : i1 to i32
    %cond3A_5 = arith.constant 0 : i32
    %cond3A_6 = arith.cmpi ne, %convert_element_type3A_4, %cond3A_5 : i32
    scf.if %cond3A_6 {
      %add3A_517 = arith.constant 1 : i32
      %add3A_518 = arith.addi %arg0, %add3A_517 : i32
      %jit3A_519 = arith.constant 14 : i32
      %div3A_520 = arith.divsi %add3A_518, %jit3A_519 : i32
      %sign3A_521 = arith.constant 0 : i32
      %sign3A_522 = arith.cmpi sgt, %add3A_518, %sign3A_521 : i32
      %sign3A_523 = arith.extui %sign3A_522 : i1 to i32
      %sign3A_524 = arith.constant 0 : i32
      %sign3A_525 = arith.cmpi slt, %add3A_518, %sign3A_524 : i32
      %sign3A_526 = arith.extui %sign3A_525 : i1 to i32
      %sign3A_527 = arith.subi %sign3A_523, %sign3A_526 : i32
      %sign3A_528 = arith.constant 0 : i32
      %sign3A_529 = arith.cmpi sgt, %jit3A_519, %sign3A_528 : i32
      %sign3A_530 = arith.extui %sign3A_529 : i1 to i32
      %sign3A_531 = arith.constant 0 : i32
      %sign3A_532 = arith.cmpi slt, %jit3A_519, %sign3A_531 : i32
      %sign3A_533 = arith.extui %sign3A_532 : i1 to i32
      %sign3A_534 = arith.subi %sign3A_530, %sign3A_533 : i32
      %ne3A_535 = arith.cmpi ne, %sign3A_527, %sign3A_534 : i32
      %rem3A_536 = arith.remsi %add3A_518, %jit3A_519 : i32
      %ne3A_537 = arith.constant 0 : i32
      %ne3A_538 = arith.cmpi ne, %rem3A_536, %ne3A_537 : i32
      %and3A_539 = arith.andi %ne3A_535, %ne3A_538 : i1
      %sub3A_540 = arith.constant 1 : i32
      %sub3A_541 = arith.subi %div3A_520, %sub3A_540 : i32
      %select_n3A_542 = arith.select %and3A_539, %sub3A_541, %div3A_520 : i32
      %mul3A_543 = arith.constant 14 : i32
      %mul3A_544 = arith.muli %select_n3A_542, %mul3A_543 : i32
      %sub3A_545 = arith.subi %add3A_518, %mul3A_544 : i32
      %mul3A_546 = arith.constant 3584 : i32
      %mul3A_547 = arith.muli %sub3A_545, %mul3A_546 : i32
      %jit3A_548 = arith.constant 2 : i32
      %eq3A_549 = arith.constant 0 : i32
      %eq3A_550 = arith.cmpi eq, %jit3A_548, %eq3A_549 : i32
      %jit3A_551 = arith.constant 1 : i32
      %select_n3A_552 = arith.select %eq3A_550, %jit3A_551, %jit3A_548 : i32
      %rem3A_553 = arith.remsi %add3A_518, %select_n3A_552 : i32
      %ne3A_554 = arith.constant 0 : i32
      %ne3A_555 = arith.cmpi ne, %rem3A_553, %ne3A_554 : i32
      %lt3A_556 = arith.constant 0 : i32
      %lt3A_557 = arith.cmpi slt, %rem3A_553, %lt3A_556 : i32
      %lt3A_558 = arith.constant 0 : i32
      %lt3A_559 = arith.cmpi slt, %select_n3A_552, %lt3A_558 : i32
      %ne3A_560 = arith.xori %lt3A_557, %lt3A_559 : i1
      %and3A_561 = arith.andi %ne3A_560, %ne3A_555 : i1
      %add3A_562 = arith.addi %rem3A_553, %select_n3A_552 : i32
      %select_n3A_563 = arith.select %and3A_561, %add3A_562, %rem3A_553 : i32
      %jit3A_564 = arith.constant 2 : i32
      %eq3A_565 = arith.constant 0 : i32
      %eq3A_566 = arith.cmpi eq, %jit3A_564, %eq3A_565 : i32
      %jit3A_567 = arith.constant 1 : i32
      %select_n3A_568 = arith.select %eq3A_566, %jit3A_567, %jit3A_564 : i32
      %rem3A_569 = arith.remsi %add3A_518, %select_n3A_568 : i32
      %ne3A_570 = arith.constant 0 : i32
      %ne3A_571 = arith.cmpi ne, %rem3A_569, %ne3A_570 : i32
      %lt3A_572 = arith.constant 0 : i32
      %lt3A_573 = arith.cmpi slt, %rem3A_569, %lt3A_572 : i32
      %lt3A_574 = arith.constant 0 : i32
      %lt3A_575 = arith.cmpi slt, %select_n3A_568, %lt3A_574 : i32
      %ne3A_576 = arith.xori %lt3A_573, %lt3A_575 : i1
      %and3A_577 = arith.andi %ne3A_576, %ne3A_571 : i1
      %add3A_578 = arith.addi %rem3A_569, %select_n3A_568 : i32
      %select_n3A_579 = arith.select %and3A_577, %add3A_578, %rem3A_569 : i32
      %dma_start3A = tpu.memref_slice %arg9[%select_n3A_579] : memref<2x!tpu.dma_semaphore, #tpu.memory_space<semaphore_mem>> -> memref<1x!tpu.dma_semaphore, #tpu.memory_space<semaphore_mem>>
      %dma_start3A_580 = tpu.memref_squeeze %dma_start3A : memref<1x!tpu.dma_semaphore, #tpu.memory_space<semaphore_mem>> -> memref<!tpu.dma_semaphore, #tpu.memory_space<semaphore_mem>>
      %dma_start3A_581 = arith.constant 0 : i32
      %dma_start3A_582 = arith.constant 0 : i32
      %dma_start3A_583 = tpu.memref_slice %arg7[%select_n3A_563, %dma_start3A_581, %dma_start3A_582] : memref<2x384x4096xbf16, #tpu.memory_space<vmem>> -> memref<1x384x4096xbf16, #tpu.memory_space<vmem>>
      %dma_start3A_584 = tpu.memref_squeeze %dma_start3A_583 : memref<1x384x4096xbf16, #tpu.memory_space<vmem>> -> memref<384x4096xbf16, #tpu.memory_space<vmem>>
      %dma_start3A_585 = arith.constant 0 : i32
      %dma_start3A_586 = tpu.memref_slice %arg1[%select_n3A_542, %dma_start3A_585, %mul3A_547] : memref<2x384x50688xbf16, #tpu.memory_space<any>> -> memref<1x384x4096xbf16, #tpu.memory_space<any>>
      %dma_start3A_587 = tpu.memref_squeeze %dma_start3A_586 : memref<1x384x4096xbf16, #tpu.memory_space<any>> -> memref<384x4096xbf16, #tpu.memory_space<any>>
      tpu.enqueue_dma source(%dma_start3A_587 : memref<384x4096xbf16, #tpu.memory_space<any>>) target(%dma_start3A_584 : memref<384x4096xbf16, #tpu.memory_space<vmem>>) target_semaphore(%dma_start3A_580 : memref<!tpu.dma_semaphore, #tpu.memory_space<semaphore_mem>>)
    } else {
    }
    %jit3A = arith.constant 14 : i32
    %div3A = arith.divsi %arg0, %jit3A : i32
    %sign3A = arith.constant 0 : i32
    %sign3A_7 = arith.cmpi sgt, %arg0, %sign3A : i32
    %sign3A_8 = arith.extui %sign3A_7 : i1 to i32
    %sign3A_9 = arith.constant 0 : i32
    %sign3A_10 = arith.cmpi slt, %arg0, %sign3A_9 : i32
    %sign3A_11 = arith.extui %sign3A_10 : i1 to i32
    %sign3A_12 = arith.subi %sign3A_8, %sign3A_11 : i32
    %sign3A_13 = arith.constant 0 : i32
    %sign3A_14 = arith.cmpi sgt, %jit3A, %sign3A_13 : i32
    %sign3A_15 = arith.extui %sign3A_14 : i1 to i32
    %sign3A_16 = arith.constant 0 : i32
    %sign3A_17 = arith.cmpi slt, %jit3A, %sign3A_16 : i32
    %sign3A_18 = arith.extui %sign3A_17 : i1 to i32
    %sign3A_19 = arith.subi %sign3A_15, %sign3A_18 : i32
    %ne3A = arith.cmpi ne, %sign3A_12, %sign3A_19 : i32
    %rem3A = arith.remsi %arg0, %jit3A : i32
    %ne3A_20 = arith.constant 0 : i32
    %ne3A_21 = arith.cmpi ne, %rem3A, %ne3A_20 : i32
    %and3A = arith.andi %ne3A, %ne3A_21 : i1
    %sub3A = arith.constant 1 : i32
    %sub3A_22 = arith.subi %div3A, %sub3A : i32
    %select_n3A = arith.select %and3A, %sub3A_22, %div3A : i32
    %mul3A = arith.constant 14 : i32
    %mul3A_23 = arith.muli %select_n3A, %mul3A : i32
    %sub3A_24 = arith.subi %arg0, %mul3A_23 : i32
    %mul3A_25 = arith.constant 3584 : i32
    %mul3A_26 = arith.muli %sub3A_24, %mul3A_25 : i32
    %jit3A_27 = arith.constant 2 : i32
    %eq3A_28 = arith.constant 0 : i32
    %eq3A_29 = arith.cmpi eq, %jit3A_27, %eq3A_28 : i32
    %jit3A_30 = arith.constant 1 : i32
    %select_n3A_31 = arith.select %eq3A_29, %jit3A_30, %jit3A_27 : i32
    %rem3A_32 = arith.remsi %arg0, %select_n3A_31 : i32
    %ne3A_33 = arith.constant 0 : i32
    %ne3A_34 = arith.cmpi ne, %rem3A_32, %ne3A_33 : i32
    %lt3A_35 = arith.constant 0 : i32
    %lt3A_36 = arith.cmpi slt, %rem3A_32, %lt3A_35 : i32
    %lt3A_37 = arith.constant 0 : i32
    %lt3A_38 = arith.cmpi slt, %select_n3A_31, %lt3A_37 : i32
    %ne3A_39 = arith.xori %lt3A_36, %lt3A_38 : i1
    %and3A_40 = arith.andi %ne3A_39, %ne3A_34 : i1
    %add3A_41 = arith.addi %rem3A_32, %select_n3A_31 : i32
    %select_n3A_42 = arith.select %and3A_40, %add3A_41, %rem3A_32 : i32
    %jit3A_43 = arith.constant 2 : i32
    %eq3A_44 = arith.constant 0 : i32
    %eq3A_45 = arith.cmpi eq, %jit3A_43, %eq3A_44 : i32
    %jit3A_46 = arith.constant 1 : i32
    %select_n3A_47 = arith.select %eq3A_45, %jit3A_46, %jit3A_43 : i32
    %rem3A_48 = arith.remsi %arg0, %select_n3A_47 : i32
    %ne3A_49 = arith.constant 0 : i32
    %ne3A_50 = arith.cmpi ne, %rem3A_48, %ne3A_49 : i32
    %lt3A_51 = arith.constant 0 : i32
    %lt3A_52 = arith.cmpi slt, %rem3A_48, %lt3A_51 : i32
    %lt3A_53 = arith.constant 0 : i32
    %lt3A_54 = arith.cmpi slt, %select_n3A_47, %lt3A_53 : i32
    %ne3A_55 = arith.xori %lt3A_52, %lt3A_54 : i1
    %and3A_56 = arith.andi %ne3A_55, %ne3A_50 : i1
    %add3A_57 = arith.addi %rem3A_48, %select_n3A_47 : i32
    %select_n3A_58 = arith.select %and3A_56, %add3A_57, %rem3A_48 : i32
    %dma_wait3A = tpu.memref_slice %arg9[%select_n3A_58] : memref<2x!tpu.dma_semaphore, #tpu.memory_space<semaphore_mem>> -> memref<1x!tpu.dma_semaphore, #tpu.memory_space<semaphore_mem>>
    %dma_wait3A_59 = tpu.memref_squeeze %dma_wait3A : memref<1x!tpu.dma_semaphore, #tpu.memory_space<semaphore_mem>> -> memref<!tpu.dma_semaphore, #tpu.memory_space<semaphore_mem>>
    %dma_wait3A_60 = arith.constant 0 : i32
    %dma_wait3A_61 = arith.constant 0 : i32
    %dma_wait3A_62 = tpu.memref_slice %arg7[%select_n3A_42, %dma_wait3A_60, %dma_wait3A_61] : memref<2x384x4096xbf16, #tpu.memory_space<vmem>> -> memref<1x384x4096xbf16, #tpu.memory_space<vmem>>
    %dma_wait3A_63 = tpu.memref_squeeze %dma_wait3A_62 : memref<1x384x4096xbf16, #tpu.memory_space<vmem>> -> memref<384x4096xbf16, #tpu.memory_space<vmem>>
    %dma_wait3A_64 = arith.constant 0 : i32
    %dma_wait3A_65 = tpu.memref_slice %arg1[%select_n3A, %dma_wait3A_64, %mul3A_26] : memref<2x384x50688xbf16, #tpu.memory_space<any>> -> memref<1x384x4096xbf16, #tpu.memory_space<any>>
    %dma_wait3A_66 = tpu.memref_squeeze %dma_wait3A_65 : memref<1x384x4096xbf16, #tpu.memory_space<any>> -> memref<384x4096xbf16, #tpu.memory_space<any>>
    tpu.wait_dma2 semaphore(%dma_wait3A_59 : memref<!tpu.dma_semaphore, #tpu.memory_space<semaphore_mem>>) src(%dma_wait3A_66 : memref<384x4096xbf16, #tpu.memory_space<any>>) dst(%dma_wait3A_63 : memref<384x4096xbf16, #tpu.memory_space<vmem>>)
    %get3A = arith.constant 0 : index
    %get3A_67 = arith.constant 0 : index
    %get3A_68 = vector.load %arg3[%get3A, %get3A_67] : memref<576x384xbf16, #tpu.memory_space<vmem>>, vector<576x384xbf16>
    %jit3A_69 = arith.constant 2 : i32
    %eq3A_70 = arith.constant 0 : i32
    %eq3A_71 = arith.cmpi eq, %jit3A_69, %eq3A_70 : i32
    %jit3A_72 = arith.constant 1 : i32
    %select_n3A_73 = arith.select %eq3A_71, %jit3A_72, %jit3A_69 : i32
    %rem3A_74 = arith.remsi %arg0, %select_n3A_73 : i32
    %ne3A_75 = arith.constant 0 : i32
    %ne3A_76 = arith.cmpi ne, %rem3A_74, %ne3A_75 : i32
    %lt3A_77 = arith.constant 0 : i32
    %lt3A_78 = arith.cmpi slt, %rem3A_74, %lt3A_77 : i32
    %lt3A_79 = arith.constant 0 : i32
    %lt3A_80 = arith.cmpi slt, %select_n3A_73, %lt3A_79 : i32
    %ne3A_81 = arith.xori %lt3A_78, %lt3A_80 : i1
    %and3A_82 = arith.andi %ne3A_81, %ne3A_76 : i1
    %add3A_83 = arith.addi %rem3A_74, %select_n3A_73 : i32
    %select_n3A_84 = arith.select %and3A_82, %add3A_83, %rem3A_74 : i32
    %get3A_85 = arith.index_cast %select_n3A_84 : i32 to index
    %get3A_86 = arith.constant 0 : index
    %get3A_87 = arith.constant 0 : index
    %get3A_88 = vector.load %arg7[%get3A_85, %get3A_86, %get3A_87] : memref<2x384x4096xbf16, #tpu.memory_space<vmem>>, vector<1x384x4096xbf16>
    %get3A_89 = vector.shape_cast %get3A_88 : vector<1x384x4096xbf16> to vector<384x4096xbf16>
    %dot_general3A = arith.constant dense<0.000000e+00> : vector<576x4096xf32>
    %dot_general3A_90 = tpu.matmul %get3A_68, %get3A_89, %dot_general3A {dimension_numbers = #tpu.dot_dimension_numbers<[1], [0], [0], [1], [0, 0, 1, 1], [], []>, transpose_lhs_hint = false} : vector<576x384xbf16>, vector<384x4096xbf16>, vector<576x4096xf32> -> vector<576x4096xf32>
    %swap3A = arith.constant 0 : index
    %swap3A_91 = arith.constant 0 : index
    %swap3A_92 = vector.load %arg8[%swap3A, %swap3A_91] : memref<576x4096xf32, #tpu.memory_space<vmem>>, vector<576x4096xf32>
    tpu.vector_store %arg8[%swap3A, %swap3A_91], %dot_general3A_90 {strides = array<i32>} : memref<576x4096xf32, #tpu.memory_space<vmem>>, vector<576x4096xf32>,
    %iota3A = tpu.iota {dimensions = array<i32: 1>} : vector<1x3584xi32>
    %jit3A_93 = arith.constant 224 : i32
    %eq3A_94 = arith.constant 0 : i32
    %eq3A_95 = arith.cmpi eq, %jit3A_93, %eq3A_94 : i32
    %jit3A_96 = arith.constant 1 : i32
    %select_n3A_97 = arith.select %eq3A_95, %jit3A_96, %jit3A_93 : i32
    %rem3A_98 = vector.broadcast %select_n3A_97 : i32 to vector<1x3584xi32>
    %rem3A_99 = arith.remsi %iota3A, %rem3A_98 : vector<1x3584xi32>
    %ne3A_100 = arith.constant 0 : i32
    %ne3A_101 = vector.broadcast %ne3A_100 : i32 to vector<1x3584xi32>
    %ne3A_102 = arith.cmpi ne, %rem3A_99, %ne3A_101 : vector<1x3584xi32>
    %lt3A_103 = arith.constant 0 : i32
    %lt3A_104 = vector.broadcast %lt3A_103 : i32 to vector<1x3584xi32>
    %lt3A_105 = arith.cmpi slt, %rem3A_99, %lt3A_104 : vector<1x3584xi32>
    %lt3A_106 = arith.constant 0 : i32
    %lt3A_107 = arith.cmpi slt, %select_n3A_97, %lt3A_106 : i32
    %ne3A_108 = vector.broadcast %lt3A_107 : i1 to vector<1x3584xi1>
    %ne3A_109 = vector.broadcast %ne3A_108 : vector<1x3584xi1> to vector<1x3584xi1>
    %ne3A_110 = arith.xori %lt3A_105, %ne3A_109 : vector<1x3584xi1>
    %and3A_111 = arith.andi %ne3A_110, %ne3A_102 : vector<1x3584xi1>
    %add3A_112 = vector.broadcast %select_n3A_97 : i32 to vector<1x3584xi32>
    %add3A_113 = arith.addi %rem3A_99, %add3A_112 : vector<1x3584xi32>
    %select_n3A_114 = arith.select %and3A_111, %add3A_113, %rem3A_99 : vector<1x3584xi1>, vector<1x3584xi32>
    %get3A_115 = arith.constant 0 : index
    %get3A_116 = arith.constant 0 : index
    %get3A_117 = vector.load %arg8[%get3A_115, %get3A_116] : memref<576x4096xf32, #tpu.memory_space<vmem>>, vector<64x3584xf32>
    %eq3A_118 = arith.constant 0 : i32
    %eq3A_119 = vector.broadcast %eq3A_118 : i32 to vector<1x3584xi32>
    %eq3A_120 = arith.cmpi eq, %select_n3A_114, %eq3A_119 : vector<1x3584xi32>
    %jit3A_121 = arith.constant 0.000000e+00 : f32
    %broadcast_in_dim3A = vector.shape_cast %eq3A_120 : vector<1x3584xi1> to vector<1x3584xi1>
    %broadcast_in_dim3A_122 = vector.broadcast %broadcast_in_dim3A : vector<1x3584xi1> to vector<64x3584xi1>
    %broadcast_in_dim3A_123 = vector.broadcast %jit3A_121 : f32 to vector<64x3584xf32>
    %select_n3A_124 = arith.select %broadcast_in_dim3A_122, %broadcast_in_dim3A_123, %get3A_117 : vector<64x3584xi1>, vector<64x3584xf32>
    %get3A_125 = arith.constant 64 : index
    %get3A_126 = arith.constant 1 : index
    %get3A_127 = vector.load %arg8[%get3A_125, %get3A_126] : memref<576x4096xf32, #tpu.memory_space<vmem>>, vector<64x3584xf32>
    %add3A_128 = arith.addf %select_n3A_124, %get3A_127 : vector<64x3584xf32>
    %get3A_129 = arith.constant 128 : index
    %get3A_130 = arith.constant 2 : index
    %get3A_131 = vector.load %arg8[%get3A_129, %get3A_130] : memref<576x4096xf32, #tpu.memory_space<vmem>>, vector<64x3584xf32>
    %eq3A_132 = arith.constant 223 : i32
    %eq3A_133 = vector.broadcast %eq3A_132 : i32 to vector<1x3584xi32>
    %eq3A_134 = arith.cmpi eq, %select_n3A_114, %eq3A_133 : vector<1x3584xi32>
    %jit3A_135 = arith.constant 0.000000e+00 : f32
    %broadcast_in_dim3A_136 = vector.shape_cast %eq3A_134 : vector<1x3584xi1> to vector<1x3584xi1>
    %broadcast_in_dim3A_137 = vector.broadcast %broadcast_in_dim3A_136 : vector<1x3584xi1> to vector<64x3584xi1>
    %broadcast_in_dim3A_138 = vector.broadcast %jit3A_135 : f32 to vector<64x3584xf32>
    %select_n3A_139 = arith.select %broadcast_in_dim3A_137, %broadcast_in_dim3A_138, %get3A_131 : vector<64x3584xi1>, vector<64x3584xf32>
    %add3A_140 = arith.addf %add3A_128, %select_n3A_139 : vector<64x3584xf32>
    %get3A_141 = arith.constant 192 : index
    %get3A_142 = arith.constant 224 : index
    %get3A_143 = vector.load %arg8[%get3A_141, %get3A_142] : memref<576x4096xf32, #tpu.memory_space<vmem>>, vector<64x3584xf32>
    %eq3A_144 = arith.constant 0 : i32
    %eq3A_145 = vector.broadcast %eq3A_144 : i32 to vector<1x3584xi32>
    %eq3A_146 = arith.cmpi eq, %select_n3A_114, %eq3A_145 : vector<1x3584xi32>
    %jit3A_147 = arith.constant 0.000000e+00 : f32
    %broadcast_in_dim3A_148 = vector.shape_cast %eq3A_146 : vector<1x3584xi1> to vector<1x3584xi1>
    %broadcast_in_dim3A_149 = vector.broadcast %broadcast_in_dim3A_148 : vector<1x3584xi1> to vector<64x3584xi1>
    %broadcast_in_dim3A_150 = vector.broadcast %jit3A_147 : f32 to vector<64x3584xf32>
    %select_n3A_151 = arith.select %broadcast_in_dim3A_149, %broadcast_in_dim3A_150, %get3A_143 : vector<64x3584xi1>, vector<64x3584xf32>
    %add3A_152 = arith.addf %add3A_140, %select_n3A_151 : vector<64x3584xf32>
    %get3A_153 = arith.constant 256 : index
    %get3A_154 = arith.constant 225 : index
    %get3A_155 = vector.load %arg8[%get3A_153, %get3A_154] : memref<576x4096xf32, #tpu.memory_space<vmem>>, vector<64x3584xf32>
    %add3A_156 = arith.addf %add3A_152, %get3A_155 : vector<64x3584xf32>
    %get3A_157 = arith.constant 320 : index
    %get3A_158 = arith.constant 226 : index
    %get3A_159 = vector.load %arg8[%get3A_157, %get3A_158] : memref<576x4096xf32, #tpu.memory_space<vmem>>, vector<64x3584xf32>
    %eq3A_160 = arith.constant 223 : i32
    %eq3A_161 = vector.broadcast %eq3A_160 : i32 to vector<1x3584xi32>
    %eq3A_162 = arith.cmpi eq, %select_n3A_114, %eq3A_161 : vector<1x3584xi32>
    %jit3A_163 = arith.constant 0.000000e+00 : f32
    %broadcast_in_dim3A_164 = vector.shape_cast %eq3A_162 : vector<1x3584xi1> to vector<1x3584xi1>
    %broadcast_in_dim3A_165 = vector.broadcast %broadcast_in_dim3A_164 : vector<1x3584xi1> to vector<64x3584xi1>
    %broadcast_in_dim3A_166 = vector.broadcast %jit3A_163 : f32 to vector<64x3584xf32>
    %select_n3A_167 = arith.select %broadcast_in_dim3A_165, %broadcast_in_dim3A_166, %get3A_159 : vector<64x3584xi1>, vector<64x3584xf32>
    %add3A_168 = arith.addf %add3A_156, %select_n3A_167 : vector<64x3584xf32>
    %get3A_169 = arith.constant 384 : index
    %get3A_170 = arith.constant 448 : index
    %get3A_171 = vector.load %arg8[%get3A_169, %get3A_170] : memref<576x4096xf32, #tpu.memory_space<vmem>>, vector<64x3584xf32>
    %eq3A_172 = arith.constant 0 : i32
    %eq3A_173 = vector.broadcast %eq3A_172 : i32 to vector<1x3584xi32>
    %eq3A_174 = arith.cmpi eq, %select_n3A_114, %eq3A_173 : vector<1x3584xi32>
    %jit3A_175 = arith.constant 0.000000e+00 : f32
    %broadcast_in_dim3A_176 = vector.shape_cast %eq3A_174 : vector<1x3584xi1> to vector<1x3584xi1>
    %broadcast_in_dim3A_177 = vector.broadcast %broadcast_in_dim3A_176 : vector<1x3584xi1> to vector<64x3584xi1>
    %broadcast_in_dim3A_178 = vector.broadcast %jit3A_175 : f32 to vector<64x3584xf32>
    %select_n3A_179 = arith.select %broadcast_in_dim3A_177, %broadcast_in_dim3A_178, %get3A_171 : vector<64x3584xi1>, vector<64x3584xf32>
    %add3A_180 = arith.addf %add3A_168, %select_n3A_179 : vector<64x3584xf32>
    %get3A_181 = arith.constant 448 : index
    %get3A_182 = arith.constant 449 : index
    %get3A_183 = vector.load %arg8[%get3A_181, %get3A_182] : memref<576x4096xf32, #tpu.memory_space<vmem>>, vector<64x3584xf32>
    %add3A_184 = arith.addf %add3A_180, %get3A_183 : vector<64x3584xf32>
    %get3A_185 = arith.constant 512 : index
    %get3A_186 = arith.constant 450 : index
    %get3A_187 = vector.load %arg8[%get3A_185, %get3A_186] : memref<576x4096xf32, #tpu.memory_space<vmem>>, vector<64x3584xf32>
    %eq3A_188 = arith.constant 223 : i32
    %eq3A_189 = vector.broadcast %eq3A_188 : i32 to vector<1x3584xi32>
    %eq3A_190 = arith.cmpi eq, %select_n3A_114, %eq3A_189 : vector<1x3584xi32>
    %jit3A_191 = arith.constant 0.000000e+00 : f32
    %broadcast_in_dim3A_192 = vector.shape_cast %eq3A_190 : vector<1x3584xi1> to vector<1x3584xi1>
    %broadcast_in_dim3A_193 = vector.broadcast %broadcast_in_dim3A_192 : vector<1x3584xi1> to vector<64x3584xi1>
    %broadcast_in_dim3A_194 = vector.broadcast %jit3A_191 : f32 to vector<64x3584xf32>
    %select_n3A_195 = arith.select %broadcast_in_dim3A_193, %broadcast_in_dim3A_194, %get3A_187 : vector<64x3584xi1>, vector<64x3584xf32>
    %add3A_196 = arith.addf %add3A_184, %select_n3A_195 : vector<64x3584xf32>
    %get3A_197 = arith.constant 0 : index
    %get3A_198 = arith.constant 0 : index
    %get3A_199 = arith.constant 0 : index
    %get3A_200 = vector.load %arg2[%get3A_197, %get3A_198, %get3A_199] : memref<1x64x3584xf32, #tpu.memory_space<vmem>>, vector<1x64x3584xf32>
    %get3A_201 = vector.shape_cast %get3A_200 : vector<1x64x3584xf32> to vector<64x3584xf32>
    %iota3A_202 = tpu.iota {dimensions = array<i32: 0>} : vector<64x3584xi32>
    %reduce_max3A = arith.constant dense<0xFF800000> : vector<3584xf32>
    %reduce_max3A_203 = vector.multi_reduction <maximumf>, %get3A_201, %reduce_max3A [0] : vector<64x3584xf32> to vector<3584xf32>
    %broadcast_in_dim3A_204 = vector.shape_cast %reduce_max3A_203 : vector<3584xf32> to vector<1x3584xf32>
    %eq3A_205 = vector.broadcast %broadcast_in_dim3A_204 : vector<1x3584xf32> to vector<64x3584xf32>
    %eq3A_206 = arith.cmpf oeq, %get3A_201, %eq3A_205 : vector<64x3584xf32>
    %jit3A_207 = arith.constant 64 : i32
    %broadcast_in_dim3A_208 = vector.broadcast %jit3A_207 : i32 to vector<64x3584xi32>
    %select_n3A_209 = arith.select %eq3A_206, %iota3A_202, %broadcast_in_dim3A_208 : vector<64x3584xi1>, vector<64x3584xi32>
    %reduce_min3A = arith.constant dense<2147483647> : vector<3584xi32>
    %reduce_min3A_210 = vector.multi_reduction <minsi>, %select_n3A_209, %reduce_min3A [0] : vector<64x3584xi32> to vector<3584xi32>
    %broadcast_in_dim3A_211 = vector.shape_cast %reduce_min3A_210 : vector<3584xi32> to vector<1x3584xi32>
    %eq3A_212 = vector.broadcast %broadcast_in_dim3A_211 : vector<1x3584xi32> to vector<64x3584xi32>
    %eq3A_213 = arith.cmpi eq, %iota3A_202, %eq3A_212 : vector<64x3584xi32>
    %jit3A_214 = arith.constant 0.000000e+00 : f32
    %broadcast_in_dim3A_215 = vector.broadcast %jit3A_214 : f32 to vector<64x3584xf32>
    %select_n3A_216 = arith.select %eq3A_213, %add3A_196, %broadcast_in_dim3A_215 : vector<64x3584xi1>, vector<64x3584xf32>
    %reduce_sum3A = arith.constant dense<0.000000e+00> : vector<3584xf32>
    %reduce_sum3A_217 = vector.multi_reduction <add>, %select_n3A_216, %reduce_sum3A [0] : vector<64x3584xf32> to vector<3584xf32>
    %mul3A_218 = arith.mulf %reduce_sum3A_217, %reduce_max3A_203 : vector<3584xf32>
    %swap3A_219 = arith.constant 0 : index
    %swap3A_220 = arith.constant 0 : index
    %swap3A_221 = arith.constant 0 : index
    %swap3A_222 = vector.load %arg4[%swap3A_219, %swap3A_220, %swap3A_221] : memref<1x8x3584xf32, #tpu.memory_space<vmem>>, vector<1x1x3584xf32>
    %swap3A_223 = vector.shape_cast %swap3A_222 : vector<1x1x3584xf32> to vector<3584xf32>
    %swap3A_224 = vector.shape_cast %mul3A_218 : vector<3584xf32> to vector<1x1x3584xf32>
    tpu.vector_store %arg4[%swap3A_219, %swap3A_220, %swap3A_221], %swap3A_224 {strides = array<i32>} : memref<1x8x3584xf32, #tpu.memory_space<vmem>>, vector<1x1x3584xf32>,
    %swap3A_225 = arith.constant 0 : index
    %swap3A_226 = arith.constant 0 : index
    %swap3A_227 = arith.constant 0 : index
    %swap3A_228 = vector.load %arg5[%swap3A_225, %swap3A_226, %swap3A_227] : memref<1x8x3584xf32, #tpu.memory_space<vmem>>, vector<1x1x3584xf32>
    %swap3A_229 = vector.shape_cast %swap3A_228 : vector<1x1x3584xf32> to vector<3584xf32>
    %swap3A_230 = vector.shape_cast %reduce_max3A_203 : vector<3584xf32> to vector<1x1x3584xf32>
    tpu.vector_store %arg5[%swap3A_225, %swap3A_226, %swap3A_227], %swap3A_230 {strides = array<i32>} : memref<1x8x3584xf32, #tpu.memory_space<vmem>>, vector<1x1x3584xf32>,
    %swap3A_231 = arith.constant 0 : index
    %swap3A_232 = arith.constant 0 : index
    %swap3A_233 = arith.constant 0 : index
    %swap3A_234 = vector.load %arg6[%swap3A_231, %swap3A_232, %swap3A_233] : memref<1x8x3584xi32, #tpu.memory_space<vmem>>, vector<1x1x3584xi32>
    %swap3A_235 = vector.shape_cast %swap3A_234 : vector<1x1x3584xi32> to vector<3584xi32>
    %swap3A_236 = vector.shape_cast %reduce_min3A_210 : vector<3584xi32> to vector<1x1x3584xi32>
    tpu.vector_store %arg6[%swap3A_231, %swap3A_232, %swap3A_233], %swap3A_236 {strides = array<i32>} : memref<1x8x3584xi32, #tpu.memory_space<vmem>>, vector<1x1x3584xi32>,
    %jit3A_237 = arith.constant 0xFF800000 : f32
    %broadcast_in_dim3A_238 = vector.broadcast %jit3A_237 : f32 to vector<64x3584xf32>
    %select_n3A_239 = arith.select %eq3A_213, %broadcast_in_dim3A_238, %get3A_201 : vector<64x3584xi1>, vector<64x3584xf32>
    %reduce_max3A_240 = arith.constant dense<0xFF800000> : vector<3584xf32>
    %reduce_max3A_241 = vector.multi_reduction <maximumf>, %select_n3A_239, %reduce_max3A_240 [0] : vector<64x3584xf32> to vector<3584xf32>
    %broadcast_in_dim3A_242 = vector.shape_cast %reduce_max3A_241 : vector<3584xf32> to vector<1x3584xf32>
    %eq3A_243 = vector.broadcast %broadcast_in_dim3A_242 : vector<1x3584xf32> to vector<64x3584xf32>
    %eq3A_244 = arith.cmpf oeq, %select_n3A_239, %eq3A_243 : vector<64x3584xf32>
    %jit3A_245 = arith.constant 64 : i32
    %broadcast_in_dim3A_246 = vector.broadcast %jit3A_245 : i32 to vector<64x3584xi32>
    %select_n3A_247 = arith.select %eq3A_244, %iota3A_202, %broadcast_in_dim3A_246 : vector<64x3584xi1>, vector<64x3584xi32>
    %reduce_min3A_248 = arith.constant dense<2147483647> : vector<3584xi32>
    %reduce_min3A_249 = vector.multi_reduction <minsi>, %select_n3A_247, %reduce_min3A_248 [0] : vector<64x3584xi32> to vector<3584xi32>
    %broadcast_in_dim3A_250 = vector.shape_cast %reduce_min3A_249 : vector<3584xi32> to vector<1x3584xi32>
    %eq3A_251 = vector.broadcast %broadcast_in_dim3A_250 : vector<1x3584xi32> to vector<64x3584xi32>
    %eq3A_252 = arith.cmpi eq, %iota3A_202, %eq3A_251 : vector<64x3584xi32>
    %jit3A_253 = arith.constant 0.000000e+00 : f32
    %broadcast_in_dim3A_254 = vector.broadcast %jit3A_253 : f32 to vector<64x3584xf32>
    %select_n3A_255 = arith.select %eq3A_252, %add3A_196, %broadcast_in_dim3A_254 : vector<64x3584xi1>, vector<64x3584xf32>
    %reduce_sum3A_256 = arith.constant dense<0.000000e+00> : vector<3584xf32>
    %reduce_sum3A_257 = vector.multi_reduction <add>, %select_n3A_255, %reduce_sum3A_256 [0] : vector<64x3584xf32> to vector<3584xf32>
    %mul3A_258 = arith.mulf %reduce_sum3A_257, %reduce_max3A_241 : vector<3584xf32>
    %swap3A_259 = arith.constant 0 : index
    %swap3A_260 = arith.constant 1 : index
    %swap3A_261 = arith.constant 0 : index
    %swap3A_262 = vector.load %arg4[%swap3A_259, %swap3A_260, %swap3A_261] : memref<1x8x3584xf32, #tpu.memory_space<vmem>>, vector<1x1x3584xf32>
    %swap3A_263 = vector.shape_cast %swap3A_262 : vector<1x1x3584xf32> to vector<3584xf32>
    %swap3A_264 = vector.shape_cast %mul3A_258 : vector<3584xf32> to vector<1x1x3584xf32>
    tpu.vector_store %arg4[%swap3A_259, %swap3A_260, %swap3A_261], %swap3A_264 {strides = array<i32>} : memref<1x8x3584xf32, #tpu.memory_space<vmem>>, vector<1x1x3584xf32>,
    %swap3A_265 = arith.constant 0 : index
    %swap3A_266 = arith.constant 1 : index
    %swap3A_267 = arith.constant 0 : index
    %swap3A_268 = vector.load %arg5[%swap3A_265, %swap3A_266, %swap3A_267] : memref<1x8x3584xf32, #tpu.memory_space<vmem>>, vector<1x1x3584xf32>
    %swap3A_269 = vector.shape_cast %swap3A_268 : vector<1x1x3584xf32> to vector<3584xf32>
    %swap3A_270 = vector.shape_cast %reduce_max3A_241 : vector<3584xf32> to vector<1x1x3584xf32>
    tpu.vector_store %arg5[%swap3A_265, %swap3A_266, %swap3A_267], %swap3A_270 {strides = array<i32>} : memref<1x8x3584xf32, #tpu.memory_space<vmem>>, vector<1x1x3584xf32>,
    %swap3A_271 = arith.constant 0 : index
    %swap3A_272 = arith.constant 1 : index
    %swap3A_273 = arith.constant 0 : index
    %swap3A_274 = vector.load %arg6[%swap3A_271, %swap3A_272, %swap3A_273] : memref<1x8x3584xi32, #tpu.memory_space<vmem>>, vector<1x1x3584xi32>
    %swap3A_275 = vector.shape_cast %swap3A_274 : vector<1x1x3584xi32> to vector<3584xi32>
    %swap3A_276 = vector.shape_cast %reduce_min3A_249 : vector<3584xi32> to vector<1x1x3584xi32>
    tpu.vector_store %arg6[%swap3A_271, %swap3A_272, %swap3A_273], %swap3A_276 {strides = array<i32>} : memref<1x8x3584xi32, #tpu.memory_space<vmem>>, vector<1x1x3584xi32>,
    %jit3A_277 = arith.constant 0xFF800000 : f32
    %broadcast_in_dim3A_278 = vector.broadcast %jit3A_277 : f32 to vector<64x3584xf32>
    %select_n3A_279 = arith.select %eq3A_252, %broadcast_in_dim3A_278, %select_n3A_239 : vector<64x3584xi1>, vector<64x3584xf32>
    %reduce_max3A_280 = arith.constant dense<0xFF800000> : vector<3584xf32>
    %reduce_max3A_281 = vector.multi_reduction <maximumf>, %select_n3A_279, %reduce_max3A_280 [0] : vector<64x3584xf32> to vector<3584xf32>
    %broadcast_in_dim3A_282 = vector.shape_cast %reduce_max3A_281 : vector<3584xf32> to vector<1x3584xf32>
    %eq3A_283 = vector.broadcast %broadcast_in_dim3A_282 : vector<1x3584xf32> to vector<64x3584xf32>
    %eq3A_284 = arith.cmpf oeq, %select_n3A_279, %eq3A_283 : vector<64x3584xf32>
    %jit3A_285 = arith.constant 64 : i32
    %broadcast_in_dim3A_286 = vector.broadcast %jit3A_285 : i32 to vector<64x3584xi32>
    %select_n3A_287 = arith.select %eq3A_284, %iota3A_202, %broadcast_in_dim3A_286 : vector<64x3584xi1>, vector<64x3584xi32>
    %reduce_min3A_288 = arith.constant dense<2147483647> : vector<3584xi32>
    %reduce_min3A_289 = vector.multi_reduction <minsi>, %select_n3A_287, %reduce_min3A_288 [0] : vector<64x3584xi32> to vector<3584xi32>
    %broadcast_in_dim3A_290 = vector.shape_cast %reduce_min3A_289 : vector<3584xi32> to vector<1x3584xi32>
    %eq3A_291 = vector.broadcast %broadcast_in_dim3A_290 : vector<1x3584xi32> to vector<64x3584xi32>
    %eq3A_292 = arith.cmpi eq, %iota3A_202, %eq3A_291 : vector<64x3584xi32>
    %jit3A_293 = arith.constant 0.000000e+00 : f32
    %broadcast_in_dim3A_294 = vector.broadcast %jit3A_293 : f32 to vector<64x3584xf32>
    %select_n3A_295 = arith.select %eq3A_292, %add3A_196, %broadcast_in_dim3A_294 : vector<64x3584xi1>, vector<64x3584xf32>
    %reduce_sum3A_296 = arith.constant dense<0.000000e+00> : vector<3584xf32>
    %reduce_sum3A_297 = vector.multi_reduction <add>, %select_n3A_295, %reduce_sum3A_296 [0] : vector<64x3584xf32> to vector<3584xf32>
    %mul3A_298 = arith.mulf %reduce_sum3A_297, %reduce_max3A_281 : vector<3584xf32>
    %swap3A_299 = arith.constant 0 : index
    %swap3A_300 = arith.constant 2 : index
    %swap3A_301 = arith.constant 0 : index
    %swap3A_302 = vector.load %arg4[%swap3A_299, %swap3A_300, %swap3A_301] : memref<1x8x3584xf32, #tpu.memory_space<vmem>>, vector<1x1x3584xf32>
    %swap3A_303 = vector.shape_cast %swap3A_302 : vector<1x1x3584xf32> to vector<3584xf32>
    %swap3A_304 = vector.shape_cast %mul3A_298 : vector<3584xf32> to vector<1x1x3584xf32>
    tpu.vector_store %arg4[%swap3A_299, %swap3A_300, %swap3A_301], %swap3A_304 {strides = array<i32>} : memref<1x8x3584xf32, #tpu.memory_space<vmem>>, vector<1x1x3584xf32>,
    %swap3A_305 = arith.constant 0 : index
    %swap3A_306 = arith.constant 2 : index
    %swap3A_307 = arith.constant 0 : index
    %swap3A_308 = vector.load %arg5[%swap3A_305, %swap3A_306, %swap3A_307] : memref<1x8x3584xf32, #tpu.memory_space<vmem>>, vector<1x1x3584xf32>
    %swap3A_309 = vector.shape_cast %swap3A_308 : vector<1x1x3584xf32> to vector<3584xf32>
    %swap3A_310 = vector.shape_cast %reduce_max3A_281 : vector<3584xf32> to vector<1x1x3584xf32>
    tpu.vector_store %arg5[%swap3A_305, %swap3A_306, %swap3A_307], %swap3A_310 {strides = array<i32>} : memref<1x8x3584xf32, #tpu.memory_space<vmem>>, vector<1x1x3584xf32>,
    %swap3A_311 = arith.constant 0 : index
    %swap3A_312 = arith.constant 2 : index
    %swap3A_313 = arith.constant 0 : index
    %swap3A_314 = vector.load %arg6[%swap3A_311, %swap3A_312, %swap3A_313] : memref<1x8x3584xi32, #tpu.memory_space<vmem>>, vector<1x1x3584xi32>
    %swap3A_315 = vector.shape_cast %swap3A_314 : vector<1x1x3584xi32> to vector<3584xi32>
    %swap3A_316 = vector.shape_cast %reduce_min3A_289 : vector<3584xi32> to vector<1x1x3584xi32>
    tpu.vector_store %arg6[%swap3A_311, %swap3A_312, %swap3A_313], %swap3A_316 {strides = array<i32>} : memref<1x8x3584xi32, #tpu.memory_space<vmem>>, vector<1x1x3584xi32>,
    %jit3A_317 = arith.constant 0xFF800000 : f32
    %broadcast_in_dim3A_318 = vector.broadcast %jit3A_317 : f32 to vector<64x3584xf32>
    %select_n3A_319 = arith.select %eq3A_292, %broadcast_in_dim3A_318, %select_n3A_279 : vector<64x3584xi1>, vector<64x3584xf32>
    %reduce_max3A_320 = arith.constant dense<0xFF800000> : vector<3584xf32>
    %reduce_max3A_321 = vector.multi_reduction <maximumf>, %select_n3A_319, %reduce_max3A_320 [0] : vector<64x3584xf32> to vector<3584xf32>
    %broadcast_in_dim3A_322 = vector.shape_cast %reduce_max3A_321 : vector<3584xf32> to vector<1x3584xf32>
    %eq3A_323 = vector.broadcast %broadcast_in_dim3A_322 : vector<1x3584xf32> to vector<64x3584xf32>
    %eq3A_324 = arith.cmpf oeq, %select_n3A_319, %eq3A_323 : vector<64x3584xf32>
    %jit3A_325 = arith.constant 64 : i32
    %broadcast_in_dim3A_326 = vector.broadcast %jit3A_325 : i32 to vector<64x3584xi32>
    %select_n3A_327 = arith.select %eq3A_324, %iota3A_202, %broadcast_in_dim3A_326 : vector<64x3584xi1>, vector<64x3584xi32>
    %reduce_min3A_328 = arith.constant dense<2147483647> : vector<3584xi32>
    %reduce_min3A_329 = vector.multi_reduction <minsi>, %select_n3A_327, %reduce_min3A_328 [0] : vector<64x3584xi32> to vector<3584xi32>
    %broadcast_in_dim3A_330 = vector.shape_cast %reduce_min3A_329 : vector<3584xi32> to vector<1x3584xi32>
    %eq3A_331 = vector.broadcast %broadcast_in_dim3A_330 : vector<1x3584xi32> to vector<64x3584xi32>
    %eq3A_332 = arith.cmpi eq, %iota3A_202, %eq3A_331 : vector<64x3584xi32>
    %jit3A_333 = arith.constant 0.000000e+00 : f32
    %broadcast_in_dim3A_334 = vector.broadcast %jit3A_333 : f32 to vector<64x3584xf32>
    %select_n3A_335 = arith.select %eq3A_332, %add3A_196, %broadcast_in_dim3A_334 : vector<64x3584xi1>, vector<64x3584xf32>
    %reduce_sum3A_336 = arith.constant dense<0.000000e+00> : vector<3584xf32>
    %reduce_sum3A_337 = vector.multi_reduction <add>, %select_n3A_335, %reduce_sum3A_336 [0] : vector<64x3584xf32> to vector<3584xf32>
    %mul3A_338 = arith.mulf %reduce_sum3A_337, %reduce_max3A_321 : vector<3584xf32>
    %swap3A_339 = arith.constant 0 : index
    %swap3A_340 = arith.constant 3 : index
    %swap3A_341 = arith.constant 0 : index
    %swap3A_342 = vector.load %arg4[%swap3A_339, %swap3A_340, %swap3A_341] : memref<1x8x3584xf32, #tpu.memory_space<vmem>>, vector<1x1x3584xf32>
    %swap3A_343 = vector.shape_cast %swap3A_342 : vector<1x1x3584xf32> to vector<3584xf32>
    %swap3A_344 = vector.shape_cast %mul3A_338 : vector<3584xf32> to vector<1x1x3584xf32>
    tpu.vector_store %arg4[%swap3A_339, %swap3A_340, %swap3A_341], %swap3A_344 {strides = array<i32>} : memref<1x8x3584xf32, #tpu.memory_space<vmem>>, vector<1x1x3584xf32>,
    %swap3A_345 = arith.constant 0 : index
    %swap3A_346 = arith.constant 3 : index
    %swap3A_347 = arith.constant 0 : index
    %swap3A_348 = vector.load %arg5[%swap3A_345, %swap3A_346, %swap3A_347] : memref<1x8x3584xf32, #tpu.memory_space<vmem>>, vector<1x1x3584xf32>
    %swap3A_349 = vector.shape_cast %swap3A_348 : vector<1x1x3584xf32> to vector<3584xf32>
    %swap3A_350 = vector.shape_cast %reduce_max3A_321 : vector<3584xf32> to vector<1x1x3584xf32>
    tpu.vector_store %arg5[%swap3A_345, %swap3A_346, %swap3A_347], %swap3A_350 {strides = array<i32>} : memref<1x8x3584xf32, #tpu.memory_space<vmem>>, vector<1x1x3584xf32>,
    %swap3A_351 = arith.constant 0 : index
    %swap3A_352 = arith.constant 3 : index
    %swap3A_353 = arith.constant 0 : index
    %swap3A_354 = vector.load %arg6[%swap3A_351, %swap3A_352, %swap3A_353] : memref<1x8x3584xi32, #tpu.memory_space<vmem>>, vector<1x1x3584xi32>
    %swap3A_355 = vector.shape_cast %swap3A_354 : vector<1x1x3584xi32> to vector<3584xi32>
    %swap3A_356 = vector.shape_cast %reduce_min3A_329 : vector<3584xi32> to vector<1x1x3584xi32>
    tpu.vector_store %arg6[%swap3A_351, %swap3A_352, %swap3A_353], %swap3A_356 {strides = array<i32>} : memref<1x8x3584xi32, #tpu.memory_space<vmem>>, vector<1x1x3584xi32>,
    %jit3A_357 = arith.constant 0xFF800000 : f32
    %broadcast_in_dim3A_358 = vector.broadcast %jit3A_357 : f32 to vector<64x3584xf32>
    %select_n3A_359 = arith.select %eq3A_332, %broadcast_in_dim3A_358, %select_n3A_319 : vector<64x3584xi1>, vector<64x3584xf32>
    %reduce_max3A_360 = arith.constant dense<0xFF800000> : vector<3584xf32>
    %reduce_max3A_361 = vector.multi_reduction <maximumf>, %select_n3A_359, %reduce_max3A_360 [0] : vector<64x3584xf32> to vector<3584xf32>
    %broadcast_in_dim3A_362 = vector.shape_cast %reduce_max3A_361 : vector<3584xf32> to vector<1x3584xf32>
    %eq3A_363 = vector.broadcast %broadcast_in_dim3A_362 : vector<1x3584xf32> to vector<64x3584xf32>
    %eq3A_364 = arith.cmpf oeq, %select_n3A_359, %eq3A_363 : vector<64x3584xf32>
    %jit3A_365 = arith.constant 64 : i32
    %broadcast_in_dim3A_366 = vector.broadcast %jit3A_365 : i32 to vector<64x3584xi32>
    %select_n3A_367 = arith.select %eq3A_364, %iota3A_202, %broadcast_in_dim3A_366 : vector<64x3584xi1>, vector<64x3584xi32>
    %reduce_min3A_368 = arith.constant dense<2147483647> : vector<3584xi32>
    %reduce_min3A_369 = vector.multi_reduction <minsi>, %select_n3A_367, %reduce_min3A_368 [0] : vector<64x3584xi32> to vector<3584xi32>
    %broadcast_in_dim3A_370 = vector.shape_cast %reduce_min3A_369 : vector<3584xi32> to vector<1x3584xi32>
    %eq3A_371 = vector.broadcast %broadcast_in_dim3A_370 : vector<1x3584xi32> to vector<64x3584xi32>
    %eq3A_372 = arith.cmpi eq, %iota3A_202, %eq3A_371 : vector<64x3584xi32>
    %jit3A_373 = arith.constant 0.000000e+00 : f32
    %broadcast_in_dim3A_374 = vector.broadcast %jit3A_373 : f32 to vector<64x3584xf32>
    %select_n3A_375 = arith.select %eq3A_372, %add3A_196, %broadcast_in_dim3A_374 : vector<64x3584xi1>, vector<64x3584xf32>
    %reduce_sum3A_376 = arith.constant dense<0.000000e+00> : vector<3584xf32>
    %reduce_sum3A_377 = vector.multi_reduction <add>, %select_n3A_375, %reduce_sum3A_376 [0] : vector<64x3584xf32> to vector<3584xf32>
    %mul3A_378 = arith.mulf %reduce_sum3A_377, %reduce_max3A_361 : vector<3584xf32>
    %swap3A_379 = arith.constant 0 : index
    %swap3A_380 = arith.constant 4 : index
    %swap3A_381 = arith.constant 0 : index
    %swap3A_382 = vector.load %arg4[%swap3A_379, %swap3A_380, %swap3A_381] : memref<1x8x3584xf32, #tpu.memory_space<vmem>>, vector<1x1x3584xf32>
    %swap3A_383 = vector.shape_cast %swap3A_382 : vector<1x1x3584xf32> to vector<3584xf32>
    %swap3A_384 = vector.shape_cast %mul3A_378 : vector<3584xf32> to vector<1x1x3584xf32>
    tpu.vector_store %arg4[%swap3A_379, %swap3A_380, %swap3A_381], %swap3A_384 {strides = array<i32>} : memref<1x8x3584xf32, #tpu.memory_space<vmem>>, vector<1x1x3584xf32>,
    %swap3A_385 = arith.constant 0 : index
    %swap3A_386 = arith.constant 4 : index
    %swap3A_387 = arith.constant 0 : index
    %swap3A_388 = vector.load %arg5[%swap3A_385, %swap3A_386, %swap3A_387] : memref<1x8x3584xf32, #tpu.memory_space<vmem>>, vector<1x1x3584xf32>
    %swap3A_389 = vector.shape_cast %swap3A_388 : vector<1x1x3584xf32> to vector<3584xf32>
    %swap3A_390 = vector.shape_cast %reduce_max3A_361 : vector<3584xf32> to vector<1x1x3584xf32>
    tpu.vector_store %arg5[%swap3A_385, %swap3A_386, %swap3A_387], %swap3A_390 {strides = array<i32>} : memref<1x8x3584xf32, #tpu.memory_space<vmem>>, vector<1x1x3584xf32>,
    %swap3A_391 = arith.constant 0 : index
    %swap3A_392 = arith.constant 4 : index
    %swap3A_393 = arith.constant 0 : index
    %swap3A_394 = vector.load %arg6[%swap3A_391, %swap3A_392, %swap3A_393] : memref<1x8x3584xi32, #tpu.memory_space<vmem>>, vector<1x1x3584xi32>
    %swap3A_395 = vector.shape_cast %swap3A_394 : vector<1x1x3584xi32> to vector<3584xi32>
    %swap3A_396 = vector.shape_cast %reduce_min3A_369 : vector<3584xi32> to vector<1x1x3584xi32>
    tpu.vector_store %arg6[%swap3A_391, %swap3A_392, %swap3A_393], %swap3A_396 {strides = array<i32>} : memref<1x8x3584xi32, #tpu.memory_space<vmem>>, vector<1x1x3584xi32>,
    %jit3A_397 = arith.constant 0xFF800000 : f32
    %broadcast_in_dim3A_398 = vector.broadcast %jit3A_397 : f32 to vector<64x3584xf32>
    %select_n3A_399 = arith.select %eq3A_372, %broadcast_in_dim3A_398, %select_n3A_359 : vector<64x3584xi1>, vector<64x3584xf32>
    %reduce_max3A_400 = arith.constant dense<0xFF800000> : vector<3584xf32>
    %reduce_max3A_401 = vector.multi_reduction <maximumf>, %select_n3A_399, %reduce_max3A_400 [0] : vector<64x3584xf32> to vector<3584xf32>
    %broadcast_in_dim3A_402 = vector.shape_cast %reduce_max3A_401 : vector<3584xf32> to vector<1x3584xf32>
    %eq3A_403 = vector.broadcast %broadcast_in_dim3A_402 : vector<1x3584xf32> to vector<64x3584xf32>
    %eq3A_404 = arith.cmpf oeq, %select_n3A_399, %eq3A_403 : vector<64x3584xf32>
    %jit3A_405 = arith.constant 64 : i32
    %broadcast_in_dim3A_406 = vector.broadcast %jit3A_405 : i32 to vector<64x3584xi32>
    %select_n3A_407 = arith.select %eq3A_404, %iota3A_202, %broadcast_in_dim3A_406 : vector<64x3584xi1>, vector<64x3584xi32>
    %reduce_min3A_408 = arith.constant dense<2147483647> : vector<3584xi32>
    %reduce_min3A_409 = vector.multi_reduction <minsi>, %select_n3A_407, %reduce_min3A_408 [0] : vector<64x3584xi32> to vector<3584xi32>
    %broadcast_in_dim3A_410 = vector.shape_cast %reduce_min3A_409 : vector<3584xi32> to vector<1x3584xi32>
    %eq3A_411 = vector.broadcast %broadcast_in_dim3A_410 : vector<1x3584xi32> to vector<64x3584xi32>
    %eq3A_412 = arith.cmpi eq, %iota3A_202, %eq3A_411 : vector<64x3584xi32>
    %jit3A_413 = arith.constant 0.000000e+00 : f32
    %broadcast_in_dim3A_414 = vector.broadcast %jit3A_413 : f32 to vector<64x3584xf32>
    %select_n3A_415 = arith.select %eq3A_412, %add3A_196, %broadcast_in_dim3A_414 : vector<64x3584xi1>, vector<64x3584xf32>
    %reduce_sum3A_416 = arith.constant dense<0.000000e+00> : vector<3584xf32>
    %reduce_sum3A_417 = vector.multi_reduction <add>, %select_n3A_415, %reduce_sum3A_416 [0] : vector<64x3584xf32> to vector<3584xf32>
    %mul3A_418 = arith.mulf %reduce_sum3A_417, %reduce_max3A_401 : vector<3584xf32>
    %swap3A_419 = arith.constant 0 : index
    %swap3A_420 = arith.constant 5 : index
    %swap3A_421 = arith.constant 0 : index
    %swap3A_422 = vector.load %arg4[%swap3A_419, %swap3A_420, %swap3A_421] : memref<1x8x3584xf32, #tpu.memory_space<vmem>>, vector<1x1x3584xf32>
    %swap3A_423 = vector.shape_cast %swap3A_422 : vector<1x1x3584xf32> to vector<3584xf32>
    %swap3A_424 = vector.shape_cast %mul3A_418 : vector<3584xf32> to vector<1x1x3584xf32>
    tpu.vector_store %arg4[%swap3A_419, %swap3A_420, %swap3A_421], %swap3A_424 {strides = array<i32>} : memref<1x8x3584xf32, #tpu.memory_space<vmem>>, vector<1x1x3584xf32>,
    %swap3A_425 = arith.constant 0 : index
    %swap3A_426 = arith.constant 5 : index
    %swap3A_427 = arith.constant 0 : index
    %swap3A_428 = vector.load %arg5[%swap3A_425, %swap3A_426, %swap3A_427] : memref<1x8x3584xf32, #tpu.memory_space<vmem>>, vector<1x1x3584xf32>
    %swap3A_429 = vector.shape_cast %swap3A_428 : vector<1x1x3584xf32> to vector<3584xf32>
    %swap3A_430 = vector.shape_cast %reduce_max3A_401 : vector<3584xf32> to vector<1x1x3584xf32>
    tpu.vector_store %arg5[%swap3A_425, %swap3A_426, %swap3A_427], %swap3A_430 {strides = array<i32>} : memref<1x8x3584xf32, #tpu.memory_space<vmem>>, vector<1x1x3584xf32>,
    %swap3A_431 = arith.constant 0 : index
    %swap3A_432 = arith.constant 5 : index
    %swap3A_433 = arith.constant 0 : index
    %swap3A_434 = vector.load %arg6[%swap3A_431, %swap3A_432, %swap3A_433] : memref<1x8x3584xi32, #tpu.memory_space<vmem>>, vector<1x1x3584xi32>
    %swap3A_435 = vector.shape_cast %swap3A_434 : vector<1x1x3584xi32> to vector<3584xi32>
    %swap3A_436 = vector.shape_cast %reduce_min3A_409 : vector<3584xi32> to vector<1x1x3584xi32>
    tpu.vector_store %arg6[%swap3A_431, %swap3A_432, %swap3A_433], %swap3A_436 {strides = array<i32>} : memref<1x8x3584xi32, #tpu.memory_space<vmem>>, vector<1x1x3584xi32>,
    %jit3A_437 = arith.constant 0xFF800000 : f32
    %broadcast_in_dim3A_438 = vector.broadcast %jit3A_437 : f32 to vector<64x3584xf32>
    %select_n3A_439 = arith.select %eq3A_412, %broadcast_in_dim3A_438, %select_n3A_399 : vector<64x3584xi1>, vector<64x3584xf32>
    %reduce_max3A_440 = arith.constant dense<0xFF800000> : vector<3584xf32>
    %reduce_max3A_441 = vector.multi_reduction <maximumf>, %select_n3A_439, %reduce_max3A_440 [0] : vector<64x3584xf32> to vector<3584xf32>
    %broadcast_in_dim3A_442 = vector.shape_cast %reduce_max3A_441 : vector<3584xf32> to vector<1x3584xf32>
    %eq3A_443 = vector.broadcast %broadcast_in_dim3A_442 : vector<1x3584xf32> to vector<64x3584xf32>
    %eq3A_444 = arith.cmpf oeq, %select_n3A_439, %eq3A_443 : vector<64x3584xf32>
    %jit3A_445 = arith.constant 64 : i32
    %broadcast_in_dim3A_446 = vector.broadcast %jit3A_445 : i32 to vector<64x3584xi32>
    %select_n3A_447 = arith.select %eq3A_444, %iota3A_202, %broadcast_in_dim3A_446 : vector<64x3584xi1>, vector<64x3584xi32>
    %reduce_min3A_448 = arith.constant dense<2147483647> : vector<3584xi32>
    %reduce_min3A_449 = vector.multi_reduction <minsi>, %select_n3A_447, %reduce_min3A_448 [0] : vector<64x3584xi32> to vector<3584xi32>
    %broadcast_in_dim3A_450 = vector.shape_cast %reduce_min3A_449 : vector<3584xi32> to vector<1x3584xi32>
    %eq3A_451 = vector.broadcast %broadcast_in_dim3A_450 : vector<1x3584xi32> to vector<64x3584xi32>
    %eq3A_452 = arith.cmpi eq, %iota3A_202, %eq3A_451 : vector<64x3584xi32>
    %jit3A_453 = arith.constant 0.000000e+00 : f32
    %broadcast_in_dim3A_454 = vector.broadcast %jit3A_453 : f32 to vector<64x3584xf32>
    %select_n3A_455 = arith.select %eq3A_452, %add3A_196, %broadcast_in_dim3A_454 : vector<64x3584xi1>, vector<64x3584xf32>
    %reduce_sum3A_456 = arith.constant dense<0.000000e+00> : vector<3584xf32>
    %reduce_sum3A_457 = vector.multi_reduction <add>, %select_n3A_455, %reduce_sum3A_456 [0] : vector<64x3584xf32> to vector<3584xf32>
    %mul3A_458 = arith.mulf %reduce_sum3A_457, %reduce_max3A_441 : vector<3584xf32>
    %swap3A_459 = arith.constant 0 : index
    %swap3A_460 = arith.constant 6 : index
    %swap3A_461 = arith.constant 0 : index
    %swap3A_462 = vector.load %arg4[%swap3A_459, %swap3A_460, %swap3A_461] : memref<1x8x3584xf32, #tpu.memory_space<vmem>>, vector<1x1x3584xf32>
    %swap3A_463 = vector.shape_cast %swap3A_462 : vector<1x1x3584xf32> to vector<3584xf32>
    %swap3A_464 = vector.shape_cast %mul3A_458 : vector<3584xf32> to vector<1x1x3584xf32>
    tpu.vector_store %arg4[%swap3A_459, %swap3A_460, %swap3A_461], %swap3A_464 {strides = array<i32>} : memref<1x8x3584xf32, #tpu.memory_space<vmem>>, vector<1x1x3584xf32>,
    %swap3A_465 = arith.constant 0 : index
    %swap3A_466 = arith.constant 6 : index
    %swap3A_467 = arith.constant 0 : index
    %swap3A_468 = vector.load %arg5[%swap3A_465, %swap3A_466, %swap3A_467] : memref<1x8x3584xf32, #tpu.memory_space<vmem>>, vector<1x1x3584xf32>
    %swap3A_469 = vector.shape_cast %swap3A_468 : vector<1x1x3584xf32> to vector<3584xf32>
    %swap3A_470 = vector.shape_cast %reduce_max3A_441 : vector<3584xf32> to vector<1x1x3584xf32>
    tpu.vector_store %arg5[%swap3A_465, %swap3A_466, %swap3A_467], %swap3A_470 {strides = array<i32>} : memref<1x8x3584xf32, #tpu.memory_space<vmem>>, vector<1x1x3584xf32>,
    %swap3A_471 = arith.constant 0 : index
    %swap3A_472 = arith.constant 6 : index
    %swap3A_473 = arith.constant 0 : index
    %swap3A_474 = vector.load %arg6[%swap3A_471, %swap3A_472, %swap3A_473] : memref<1x8x3584xi32, #tpu.memory_space<vmem>>, vector<1x1x3584xi32>
    %swap3A_475 = vector.shape_cast %swap3A_474 : vector<1x1x3584xi32> to vector<3584xi32>
    %swap3A_476 = vector.shape_cast %reduce_min3A_449 : vector<3584xi32> to vector<1x1x3584xi32>
    tpu.vector_store %arg6[%swap3A_471, %swap3A_472, %swap3A_473], %swap3A_476 {strides = array<i32>} : memref<1x8x3584xi32, #tpu.memory_space<vmem>>, vector<1x1x3584xi32>,
    %jit3A_477 = arith.constant 0xFF800000 : f32
    %broadcast_in_dim3A_478 = vector.broadcast %jit3A_477 : f32 to vector<64x3584xf32>
    %select_n3A_479 = arith.select %eq3A_452, %broadcast_in_dim3A_478, %select_n3A_439 : vector<64x3584xi1>, vector<64x3584xf32>
    %reduce_max3A_480 = arith.constant dense<0xFF800000> : vector<3584xf32>
    %reduce_max3A_481 = vector.multi_reduction <maximumf>, %select_n3A_479, %reduce_max3A_480 [0] : vector<64x3584xf32> to vector<3584xf32>
    %broadcast_in_dim3A_482 = vector.shape_cast %reduce_max3A_481 : vector<3584xf32> to vector<1x3584xf32>
    %eq3A_483 = vector.broadcast %broadcast_in_dim3A_482 : vector<1x3584xf32> to vector<64x3584xf32>
    %eq3A_484 = arith.cmpf oeq, %select_n3A_479, %eq3A_483 : vector<64x3584xf32>
    %jit3A_485 = arith.constant 64 : i32
    %broadcast_in_dim3A_486 = vector.broadcast %jit3A_485 : i32 to vector<64x3584xi32>
    %select_n3A_487 = arith.select %eq3A_484, %iota3A_202, %broadcast_in_dim3A_486 : vector<64x3584xi1>, vector<64x3584xi32>
    %reduce_min3A_488 = arith.constant dense<2147483647> : vector<3584xi32>
    %reduce_min3A_489 = vector.multi_reduction <minsi>, %select_n3A_487, %reduce_min3A_488 [0] : vector<64x3584xi32> to vector<3584xi32>
    %broadcast_in_dim3A_490 = vector.shape_cast %reduce_min3A_489 : vector<3584xi32> to vector<1x3584xi32>
    %eq3A_491 = vector.broadcast %broadcast_in_dim3A_490 : vector<1x3584xi32> to vector<64x3584xi32>
    %eq3A_492 = arith.cmpi eq, %iota3A_202, %eq3A_491 : vector<64x3584xi32>
    %jit3A_493 = arith.constant 0.000000e+00 : f32
    %broadcast_in_dim3A_494 = vector.broadcast %jit3A_493 : f32 to vector<64x3584xf32>
    %select_n3A_495 = arith.select %eq3A_492, %add3A_196, %broadcast_in_dim3A_494 : vector<64x3584xi1>, vector<64x3584xf32>
    %reduce_sum3A_496 = arith.constant dense<0.000000e+00> : vector<3584xf32>
    %reduce_sum3A_497 = vector.multi_reduction <add>, %select_n3A_495, %reduce_sum3A_496 [0] : vector<64x3584xf32> to vector<3584xf32>
    %mul3A_498 = arith.mulf %reduce_sum3A_497, %reduce_max3A_481 : vector<3584xf32>
    %swap3A_499 = arith.constant 0 : index
    %swap3A_500 = arith.constant 7 : index
    %swap3A_501 = arith.constant 0 : index
    %swap3A_502 = vector.load %arg4[%swap3A_499, %swap3A_500, %swap3A_501] : memref<1x8x3584xf32, #tpu.memory_space<vmem>>, vector<1x1x3584xf32>
    %swap3A_503 = vector.shape_cast %swap3A_502 : vector<1x1x3584xf32> to vector<3584xf32>
    %swap3A_504 = vector.shape_cast %mul3A_498 : vector<3584xf32> to vector<1x1x3584xf32>
    tpu.vector_store %arg4[%swap3A_499, %swap3A_500, %swap3A_501], %swap3A_504 {strides = array<i32>} : memref<1x8x3584xf32, #tpu.memory_space<vmem>>, vector<1x1x3584xf32>,
    %swap3A_505 = arith.constant 0 : index
    %swap3A_506 = arith.constant 7 : index
    %swap3A_507 = arith.constant 0 : index
    %swap3A_508 = vector.load %arg5[%swap3A_505, %swap3A_506, %swap3A_507] : memref<1x8x3584xf32, #tpu.memory_space<vmem>>, vector<1x1x3584xf32>
    %swap3A_509 = vector.shape_cast %swap3A_508 : vector<1x1x3584xf32> to vector<3584xf32>
    %swap3A_510 = vector.shape_cast %reduce_max3A_481 : vector<3584xf32> to vector<1x1x3584xf32>
    tpu.vector_store %arg5[%swap3A_505, %swap3A_506, %swap3A_507], %swap3A_510 {strides = array<i32>} : memref<1x8x3584xf32, #tpu.memory_space<vmem>>, vector<1x1x3584xf32>,
    %swap3A_511 = arith.constant 0 : index
    %swap3A_512 = arith.constant 7 : index
    %swap3A_513 = arith.constant 0 : index
    %swap3A_514 = vector.load %arg6[%swap3A_511, %swap3A_512, %swap3A_513] : memref<1x8x3584xi32, #tpu.memory_space<vmem>>, vector<1x1x3584xi32>
    %swap3A_515 = vector.shape_cast %swap3A_514 : vector<1x1x3584xi32> to vector<3584xi32>
    %swap3A_516 = vector.shape_cast %reduce_min3A_489 : vector<3584xi32> to vector<1x1x3584xi32>
    tpu.vector_store %arg6[%swap3A_511, %swap3A_512, %swap3A_513], %swap3A_516 {strides = array<i32>} : memref<1x8x3584xi32, #tpu.memory_space<vmem>>, vector<1x1x3584xi32>,
    return
  }
  func.func @transform_1(%arg0: i32) -> (i32, i32, i32) {
    %jit3A = arith.constant 14 : i32
    %div3A = arith.divsi %arg0, %jit3A : i32
    %sign3A = arith.constant 0 : i32
    %sign3A_0 = arith.cmpi sgt, %arg0, %sign3A : i32
    %sign3A_1 = arith.extui %sign3A_0 : i1 to i32
    %sign3A_2 = arith.constant 0 : i32
    %sign3A_3 = arith.cmpi slt, %arg0, %sign3A_2 : i32
    %sign3A_4 = arith.extui %sign3A_3 : i1 to i32
    %sign3A_5 = arith.subi %sign3A_1, %sign3A_4 : i32
    %sign3A_6 = arith.constant 0 : i32
    %sign3A_7 = arith.cmpi sgt, %jit3A, %sign3A_6 : i32
    %sign3A_8 = arith.extui %sign3A_7 : i1 to i32
    %sign3A_9 = arith.constant 0 : i32
    %sign3A_10 = arith.cmpi slt, %jit3A, %sign3A_9 : i32
    %sign3A_11 = arith.extui %sign3A_10 : i1 to i32
    %sign3A_12 = arith.subi %sign3A_8, %sign3A_11 : i32
    %ne3A = arith.cmpi ne, %sign3A_5, %sign3A_12 : i32
    %rem3A = arith.remsi %arg0, %jit3A : i32
    %ne3A_13 = arith.constant 0 : i32
    %ne3A_14 = arith.cmpi ne, %rem3A, %ne3A_13 : i32
    %and3A = arith.andi %ne3A, %ne3A_14 : i1
    %sub3A = arith.constant 1 : i32
    %sub3A_15 = arith.subi %div3A, %sub3A : i32
    %select_n3A = arith.select %and3A, %sub3A_15, %div3A : i32
    %jit3A_16 = arith.constant 14 : i32
    %eq3A = arith.constant 0 : i32
    %eq3A_17 = arith.cmpi eq, %jit3A_16, %eq3A : i32
    %jit3A_18 = arith.constant 1 : i32
    %select_n3A_19 = arith.select %eq3A_17, %jit3A_18, %jit3A_16 : i32
    %rem3A_20 = arith.remsi %arg0, %select_n3A_19 : i32
    %ne3A_21 = arith.constant 0 : i32
    %ne3A_22 = arith.cmpi ne, %rem3A_20, %ne3A_21 : i32
    %lt3A = arith.constant 0 : i32
    %lt3A_23 = arith.cmpi slt, %rem3A_20, %lt3A : i32
    %lt3A_24 = arith.constant 0 : i32
    %lt3A_25 = arith.cmpi slt, %select_n3A_19, %lt3A_24 : i32
    %ne3A_26 = arith.xori %lt3A_23, %lt3A_25 : i1
    %and3A_27 = arith.andi %ne3A_26, %ne3A_22 : i1
    %add3A = arith.addi %rem3A_20, %select_n3A_19 : i32
    %select_n3A_28 = arith.select %and3A_27, %add3A, %rem3A_20 : i32
    %c0_i32 = arith.constant 0 : i32
    %c0_i32_29 = arith.constant 0 : i32
    return %select_n3A, %c0_i32, %select_n3A_28 : i32, i32, i32
  }
  func.func @transform_2(%arg0: i32) -> (i32, i32) {
    %c0_i32 = arith.constant 0 : i32
    %c0_i32_0 = arith.constant 0 : i32
    %c0_i32_1 = arith.constant 0 : i32
    return %c0_i32, %c0_i32_0 : i32, i32
  }
  func.func @transform_3(%arg0: i32) -> (i32, i32, i32) {
    %jit3A = arith.constant 14 : i32
    %div3A = arith.divsi %arg0, %jit3A : i32
    %sign3A = arith.constant 0 : i32
    %sign3A_0 = arith.cmpi sgt, %arg0, %sign3A : i32
    %sign3A_1 = arith.extui %sign3A_0 : i1 to i32
    %sign3A_2 = arith.constant 0 : i32
    %sign3A_3 = arith.cmpi slt, %arg0, %sign3A_2 : i32
    %sign3A_4 = arith.extui %sign3A_3 : i1 to i32
    %sign3A_5 = arith.subi %sign3A_1, %sign3A_4 : i32
    %sign3A_6 = arith.constant 0 : i32
    %sign3A_7 = arith.cmpi sgt, %jit3A, %sign3A_6 : i32
    %sign3A_8 = arith.extui %sign3A_7 : i1 to i32
    %sign3A_9 = arith.constant 0 : i32
    %sign3A_10 = arith.cmpi slt, %jit3A, %sign3A_9 : i32
    %sign3A_11 = arith.extui %sign3A_10 : i1 to i32
    %sign3A_12 = arith.subi %sign3A_8, %sign3A_11 : i32
    %ne3A = arith.cmpi ne, %sign3A_5, %sign3A_12 : i32
    %rem3A = arith.remsi %arg0, %jit3A : i32
    %ne3A_13 = arith.constant 0 : i32
    %ne3A_14 = arith.cmpi ne, %rem3A, %ne3A_13 : i32
    %and3A = arith.andi %ne3A, %ne3A_14 : i1
    %sub3A = arith.constant 1 : i32
    %sub3A_15 = arith.subi %div3A, %sub3A : i32
    %select_n3A = arith.select %and3A, %sub3A_15, %div3A : i32
    %jit3A_16 = arith.constant 14 : i32
    %eq3A = arith.constant 0 : i32
    %eq3A_17 = arith.cmpi eq, %jit3A_16, %eq3A : i32
    %jit3A_18 = arith.constant 1 : i32
    %select_n3A_19 = arith.select %eq3A_17, %jit3A_18, %jit3A_16 : i32
    %rem3A_20 = arith.remsi %arg0, %select_n3A_19 : i32
    %ne3A_21 = arith.constant 0 : i32
    %ne3A_22 = arith.cmpi ne, %rem3A_20, %ne3A_21 : i32
    %lt3A = arith.constant 0 : i32
    %lt3A_23 = arith.cmpi slt, %rem3A_20, %lt3A : i32
    %lt3A_24 = arith.constant 0 : i32
    %lt3A_25 = arith.cmpi slt, %select_n3A_19, %lt3A_24 : i32
    %ne3A_26 = arith.xori %lt3A_23, %lt3A_25 : i1
    %and3A_27 = arith.andi %ne3A_26, %ne3A_22 : i1
    %add3A = arith.addi %rem3A_20, %select_n3A_19 : i32
    %select_n3A_28 = arith.select %and3A_27, %add3A, %rem3A_20 : i32
    %c0_i32 = arith.constant 0 : i32
    %c0_i32_29 = arith.constant 0 : i32
    return %select_n3A, %c0_i32, %select_n3A_28 : i32, i32, i32
  }
  func.func @transform_4(%arg0: i32) -> (i32, i32, i32) {
    %jit3A = arith.constant 14 : i32
    %div3A = arith.divsi %arg0, %jit3A : i32
    %sign3A = arith.constant 0 : i32
    %sign3A_0 = arith.cmpi sgt, %arg0, %sign3A : i32
    %sign3A_1 = arith.extui %sign3A_0 : i1 to i32
    %sign3A_2 = arith.constant 0 : i32
    %sign3A_3 = arith.cmpi slt, %arg0, %sign3A_2 : i32
    %sign3A_4 = arith.extui %sign3A_3 : i1 to i32
    %sign3A_5 = arith.subi %sign3A_1, %sign3A_4 : i32
    %sign3A_6 = arith.constant 0 : i32
    %sign3A_7 = arith.cmpi sgt, %jit3A, %sign3A_6 : i32
    %sign3A_8 = arith.extui %sign3A_7 : i1 to i32
    %sign3A_9 = arith.constant 0 : i32
    %sign3A_10 = arith.cmpi slt, %jit3A, %sign3A_9 : i32
    %sign3A_11 = arith.extui %sign3A_10 : i1 to i32
    %sign3A_12 = arith.subi %sign3A_8, %sign3A_11 : i32
    %ne3A = arith.cmpi ne, %sign3A_5, %sign3A_12 : i32
    %rem3A = arith.remsi %arg0, %jit3A : i32
    %ne3A_13 = arith.constant 0 : i32
    %ne3A_14 = arith.cmpi ne, %rem3A, %ne3A_13 : i32
    %and3A = arith.andi %ne3A, %ne3A_14 : i1
    %sub3A = arith.constant 1 : i32
    %sub3A_15 = arith.subi %div3A, %sub3A : i32
    %select_n3A = arith.select %and3A, %sub3A_15, %div3A : i32
    %jit3A_16 = arith.constant 14 : i32
    %eq3A = arith.constant 0 : i32
    %eq3A_17 = arith.cmpi eq, %jit3A_16, %eq3A : i32
    %jit3A_18 = arith.constant 1 : i32
    %select_n3A_19 = arith.select %eq3A_17, %jit3A_18, %jit3A_16 : i32
    %rem3A_20 = arith.remsi %arg0, %select_n3A_19 : i32
    %ne3A_21 = arith.constant 0 : i32
    %ne3A_22 = arith.cmpi ne, %rem3A_20, %ne3A_21 : i32
    %lt3A = arith.constant 0 : i32
    %lt3A_23 = arith.cmpi slt, %rem3A_20, %lt3A : i32
    %lt3A_24 = arith.constant 0 : i32
    %lt3A_25 = arith.cmpi slt, %select_n3A_19, %lt3A_24 : i32
    %ne3A_26 = arith.xori %lt3A_23, %lt3A_25 : i1
    %and3A_27 = arith.andi %ne3A_26, %ne3A_22 : i1
    %add3A = arith.addi %rem3A_20, %select_n3A_19 : i32
    %select_n3A_28 = arith.select %and3A_27, %add3A, %rem3A_20 : i32
    %c0_i32 = arith.constant 0 : i32
    %c0_i32_29 = arith.constant 0 : i32
    return %select_n3A, %c0_i32, %select_n3A_28 : i32, i32, i32
  }
  func.func @transform_5(%arg0: i32) -> (i32, i32, i32) {
    %jit3A = arith.constant 14 : i32
    %div3A = arith.divsi %arg0, %jit3A : i32
    %sign3A = arith.constant 0 : i32
    %sign3A_0 = arith.cmpi sgt, %arg0, %sign3A : i32
    %sign3A_1 = arith.extui %sign3A_0 : i1 to i32
    %sign3A_2 = arith.constant 0 : i32
    %sign3A_3 = arith.cmpi slt, %arg0, %sign3A_2 : i32
    %sign3A_4 = arith.extui %sign3A_3 : i1 to i32
    %sign3A_5 = arith.subi %sign3A_1, %sign3A_4 : i32
    %sign3A_6 = arith.constant 0 : i32
    %sign3A_7 = arith.cmpi sgt, %jit3A, %sign3A_6 : i32
    %sign3A_8 = arith.extui %sign3A_7 : i1 to i32
    %sign3A_9 = arith.constant 0 : i32
    %sign3A_10 = arith.cmpi slt, %jit3A, %sign3A_9 : i32
    %sign3A_11 = arith.extui %sign3A_10 : i1 to i32
    %sign3A_12 = arith.subi %sign3A_8, %sign3A_11 : i32
    %ne3A = arith.cmpi ne, %sign3A_5, %sign3A_12 : i32
    %rem3A = arith.remsi %arg0, %jit3A : i32
    %ne3A_13 = arith.constant 0 : i32
    %ne3A_14 = arith.cmpi ne, %rem3A, %ne3A_13 : i32
    %and3A = arith.andi %ne3A, %ne3A_14 : i1
    %sub3A = arith.constant 1 : i32
    %sub3A_15 = arith.subi %div3A, %sub3A : i32
    %select_n3A = arith.select %and3A, %sub3A_15, %div3A : i32
    %jit3A_16 = arith.constant 14 : i32
    %eq3A = arith.constant 0 : i32
    %eq3A_17 = arith.cmpi eq, %jit3A_16, %eq3A : i32
    %jit3A_18 = arith.constant 1 : i32
    %select_n3A_19 = arith.select %eq3A_17, %jit3A_18, %jit3A_16 : i32
    %rem3A_20 = arith.remsi %arg0, %select_n3A_19 : i32
    %ne3A_21 = arith.constant 0 : i32
    %ne3A_22 = arith.cmpi ne, %rem3A_20, %ne3A_21 : i32
    %lt3A = arith.constant 0 : i32
    %lt3A_23 = arith.cmpi slt, %rem3A_20, %lt3A : i32
    %lt3A_24 = arith.constant 0 : i32
    %lt3A_25 = arith.cmpi slt, %select_n3A_19, %lt3A_24 : i32
    %ne3A_26 = arith.xori %lt3A_23, %lt3A_25 : i1
    %and3A_27 = arith.andi %ne3A_26, %ne3A_22 : i1
    %add3A = arith.addi %rem3A_20, %select_n3A_19 : i32
    %select_n3A_28 = arith.select %and3A_27, %add3A, %rem3A_20 : i32
    %c0_i32 = arith.constant 0 : i32
    %c0_i32_29 = arith.constant 0 : i32
    return %select_n3A, %c0_i32, %select_n3A_28 : i32, i32, i32
  }
}

</mosaic_0001>

<sc_bundles>
// kernel: sparse-core-data-format-call.cloned.1.call-start
scs
called_computation_lowered:
.L_overlay_start_0:
0x0: {  	s1 =	sld [smem:$0x3FD9]  }
0x1: {  	s2 =	sld [smem:$0x3FFE];
	_ =	sdelay $0x1  }
0x2: {  	s3 =	srdreg.scid  }
0x3: {  	s0 =	sand.u32 $0x1, s3  }
0x4: {  	s17 =	sshll.u32 s0, $0xA;
	s1 =	sadd.s32 s2, s1  }
0x5: {  	s1 =	sadd.s32 s1, s17  }
0x6: {  	[smem:$0x3FC5] =	sst s1  }
0x7: {  	_ = 	snop  }
0x8: {  	(tm) =	ssettm $0x1  }
0x9: {  	s18 =	sld [smem:$0x3FFB];
	_ =	sdelay $0x3  }
0xa: {  	_ =	strace s18  }
0xb: {  	s1 =	sld [smem:$0x3FFC];
	_ =	sdelay $0x3  }
0xc: {  	_ =	strace s1  }
0xd: {  	s1 =	sld [smem:$0x3FFD];
	_ =	sdelay $0x3  }
0xe: {  	_ =	strace s1  }
0xf: {  	_ =	strace $0x8FFFFFFF  }
0x10: {  	s19 =	sld [smem:$0x3FDB];
	_ =	sdelay $0x1  }
0x11: {  	s20 =	simm.s32 $_scs_section_size  }
0x12: {  	s4 =	simm.s32 $_size__tile_overlayer_lowered;
	s5 =	simm.s32 $_tile_overlayer_lowered  }
0x13: {  	s23 =	simm.s32 $0x1BFF;
	s22 =	sshll.u32 s5, $0x1;
	s1 =	sadd.s32 s20, s19  }
0x14: {  	s6 =	simm.s32 $0x0;
	s21 =	sshll.u32 s4, $0x1;
	s4 =	sadd.s32 s22, s1  }
0x15: {  	[timem:s6], [sflag:s23] =	dma.local [hbm:s4], s21  }
0x16: {  	_ =	swait.ge [sflag:s23], s21  }
0x17: {  	s2 =	ssub.s32 $0x0, s21;
	[sflag:s23] =	ssyncset.done $0x0  }
0x18: {  	[sflag:s23] =	ssyncadd.s32 s2;
	_ =	sdelay $0x1  }
0x19: {  	s24 =	simm.s32 $0x1B8B  }
0x1a: {  	_ =	swait.ge [sflag:s24], $0x1  }
0x1b: {  	[sflag:s24] =	ssyncset.done $0x0  }
0x1c: {  	s26 =	simm.s32 $0x1B8E;
	s25 =	sld [smem:$0x3FFE];
	[sflag:s24] =	ssyncadd.s32 $0xFFFFFFFF  }
0x1d: {  	s27 =	simm.s32 $execute0_lowered;
	[smem:$0x3FD2] =	sst s26  }
0x1e: {  	s4 =	sshll.u32 s27, $0x1;
	_ =	strace $0x80000046;
	[dreg:$0x1] =	wrdreg $0xFFFFFFFF  }
0x1f: {  	s28 =	simm.s32 $_size_execute0_lowered;
	s1 =	sadd.s32 s1, s4;
	[dreg:$0x0] =	wrdreg $0x0  }
0x20: {  	s4 =	sshll.u32 s28, $0x1;
	[dreg:$0x2] =	wrdreg s1  }
0x21: {  	[dreg:$0x3] =	wrdreg s4  }
0x22: {  	[dreg:$0x4] =	wrdreg $0xC0  }
0x23: {  	_ =	task [dreg:s6], $0x5FFFF  }
0x24: {  	[dreg:$0x1] =	wrdreg $0xFFFFFFFF  }
0x25: {  	[dreg:$0x0] =	wrdreg $0x60  }
0x26: {  	[dreg:$0x2] =	wrdreg s25  }
0x27: {  	[dreg:$0x3] =	wrdreg $0x9  }
0x28: {  	_ =	task.clear_ibuf [dreg:s6], $0x4FFFF;
	_ =	strace $0x90000046  }
0x29: {  	s29 =	simm.s32 $0x9;
	_ =	strace $0x80000048  }
0x2a: {  	_ =	swait.ge [sflag:s29], $0x1  }
0x2b: {  	[sflag:s29] =	ssyncadd.s32 $0xFFFFFFFF  }
0x2c: {  	_ =	strace $0x90000048  }
0x2d: {  	_ =	sfence  }
0x2e: {  	s30 =	sld [smem:$0x0];
	_ =	sdelay $0x2  }
0x2f: {  	s31 =	sshll.u32 s3, $0xD;
	s3 =	sshrl.u32 s3, $0x2  }
0x30: {  	s2 =	sand.u32 $0x4000, s31;
	s1 =	sadd.s32 s3, s30  }
0x31: {  	s0 =	sor.u32 s2, s0;
	s1 =	sshll.u32 s1, $0x11  }
0x32: {  	s0 =	sor.u32 s1, s0  }
0x33: {  	s0 =	sadd.s32 $0x8F2B, s0  }
0x34: {  	[sflag:s0] =	ssyncadd.remote.s32 $0x1  }
0x35: {  	_ =	sfence.sel $0xFFFF  }
0x36: {  	[dreg:$0x0] =	wrdreg $0xFFFFFFFF;
	(pc) =	sbr.abs _section_cstart, $3  }
0x37: {  	[dreg:$0x1] =	wrdreg $0xFFFFFFFF  }
0x38: {  	_ =	task.clear_ibuf [dreg:s6], $0x2FFFF;
	_ =	strace $0x9FFFFFFF  }
0x39: {  	(tm) =	ssettm $0x7FFFFFFF  }
tec
execute0_lowered:
.L_overlay_start_1:
0x0: {  	(tag) =	ssettag $0x1  }
0x1: {  	s0 =	stileid.u32;
	s1 =	srdreg.scid  }
0x2: {  	s2 =	sshll.u32 s0, $0x6;
	s1 =	sshll.u32 s1, $0xA  }
0x3: {  	s1 =	sor.u32 s2, s1  }
0x4: {  	s7 =	rddreg [dreg:$0x0];
	s1 =	sand.u32 $0x780, s1  }
0x5: {  	s8 =	simm.s32 $0x2;
	s2 =	sand.u32 $0x1, s0;
	s3 =	ssub.s32 $0xC400, s1  }
0x6: {  	s15 =	simm.s32 $0x0;
	s4 =	ssub.s32 $0x2, s2;
	s5 =	sand.u32 $0x780, s3  }
0x7: {  	s6 =	sshrl.u32 s4, $0x1;
	p0 =	sne.s32 s5, $0x0;
	s5 =	simm.s32 $0x1  }
0x8: {  	s4 =	sand.u32 $0x1, s4;
	s3 =	sshrl.u32 s3, $0xB;
	s5 =	simm.s32 @!p0 $0x0  }
0x9: {  	s9 =	simm.s32 $0x31000;
	s4 =	sadd.s32 s4, s6;
	s5 =	sadd.s32 s5, s3  }
0xa: {  	s16 =	simm.s32 $0x0;
	s14 =	simm.s32 $0x0;
	s6 =	smul.u32 s5, s4  }
.Ltmp0:
0xb: {  	s10 =	simm.s32 $0x0;
	s13 =	simm.s32 $0x0;
	(pc) =	sbr.rel .LBB1_1-.Ltmp0, $4  }
0xc: {  	s12 =	smov.u32 s2;
	s11 =	smov.u32 s1;
	s3 =	rddreg [dreg:$0x1]  }
0xd: {  	_ =	strace $0x80000047;
	s5 =	simm.s32 $0x1;
	s6 =	smul.u32 $0x3, s6  }
0xe: {  	p0 =	por $0x0, $0x0;
	s4 =	sadd.s32 $0xA00, s7;
	[sflag:s5] =	ssyncpa.u1 $0x0  }
0xf: {  	s7 =	sadd.s32 $0x24CA00, s7;
	[sflag:s8] =	ssyncpa.u1 $0x0;
	s8 =	sadd.s32 $0x1, s6  }
.LBB1_4:
0x10: {  	s19 =	sshrl.u32 s15, $0x3;
	s20 =	sand.u32 $0x1, s15  }
0x11: {  	s21 =	sshll.u32 s16, $0x3;
	s30 =	sshll.u32 s16, $0x1;
	s19 =	smul.u32 $0x62000, s19  }
0x12: {  	s31 =	sshll.u32 s15, $0x7;
	s21 =	sand.u32 $0xFFFFFC00, s21;
	s16 =	sand.u32 $0xFE, s30  }
0x13: {  	s15 =	sand.u32 $0x300, s31;
	s16 =	sor.u32 s20, s16;
	s19 =	sadd.s32 s21, s19  }
0x14: {  	v7 =	vperm.xlane.i2c.b16 v7;
	v0 =	vcombine.high v3, v0;
	s15 =	sor.u32 s15, s16;
	s21 =	smulhi.u32 $0x5397829D, s19  }
0x15: {  	s24 =	sadd.s32 s23, s17;
	[tilespmem:s18+$0x1021 ss:$0x81] =	vst.msk $0xffff, v10;
	v56 =	vcombine.low v9, v8;
	v6 =	vperm.xlane.i2c.b16 v6;
	s15 =	sor.u32 s19, s15  }
0x16: {  	s25 =	sshrl.u32 s22, $0x1;
	[tilespmem:s18+$0x0 ss:$0x81] =	vst.msk $0xffff, v11;
	v2 =	vperm.xlane.i2c.b16 v2;
	v59 =	vperm.xlane.i2c.b16 v4;
	s26 =	smulhi.u32 $0x5397829D, s15;
	s16 =	sshrl.u32 s21, $0xE  }
0x17: {  	v5 =	vperm.xlane.i2c.b16 v5;
	[tilespmem:s18+$0x1 ss:$0x81] =	vst.msk $0xffff, v0;
	v58 =	vcombine.low v7, v6;
	s19 =	sadd.s32 s25, s24;
	s27 =	smulhi.u32 $0xAAAAAB, s16  }
0x18: {  	v61 =	vcombine.low v2, v59;
	[tilespmem:s19+$0x1830 ss:$0x81] =	vst.msk $0xffff, v56  }
0x19: {  	v62 =	vcombine.low v5, v1;
	[tilespmem:s19+$0x810 ss:$0x81] =	vst.msk $0xffff, v58;
	s28 =	sshrl.u32 s26, $0xE;
	s18 =	smul.u32 $0x180, s27  }
0x1a: {  	v57 =	vcombine.high v9, v8;
	[tilespmem:s19+$0x1020 ss:$0x81] =	vst.msk $0xffff, v61;
	s20 =	smul.u32 $0xC400, s28  }
0x1b: {  	s14 =	smul.u32 $0x126000, s14;
	v60 =	vcombine.high v7, v6;
	[tilespmem:s19+$0x0 ss:$0x81] =	vst.msk $0xffff, v62;
	s16 =	ssub.s32 s16, s18  }
0x1c: {  	v2 =	vcombine.high v2, v59;
	[tilespmem:s19+$0x1831 ss:$0x81] =	vst.msk $0xffff, v57;
	s15 =	ssub.s32 s15, s20;
	s16 =	smul.u32 $0xC40, s16  }
0x1d: {  	v63 =	vcombine.high v5, v1;
	s14 =	sadd.s32 s7, s14;
	[tilespmem:s19+$0x811 ss:$0x81] =	vst.msk $0xffff, v60;
	s29 =	sshll.u32 s15, $0x11  }
0x1e: {  	[tilespmem:s19+$0x1021 ss:$0x81] =	vst.msk $0xffff, v2;
	s15 =	sshrl.u32 s15, $0x4;
	s30 =	sand.u32 $0x1C0000, s29;
	s14 =	sadd.s32 s16, s14  }
0x1f: {  	[tilespmem:s19+$0x1 ss:$0x81] =	vst.msk $0xffff, v63;
	s31 =	sor.u32 $0x200, s30;
	s14 =	sadd.s32 s15, s14  }
0x20: {  	[hbm4b:s14+s31] =	stream.strided.scatter [tilespmem:s17], [sflag:$0x2], $0x2000, s9, s31, $0x20;
	[tilespmem:$0x8080] =	vst v63  }
.LBB1_5:
0x21: {  	s17 =	sadd.s32 $0x80, s10  }
0x22: {  	s14 =	sadd.s32 $0x800, s11;
	s18 =	smov.u32 s11;
	p2 =	sgt.s32 s17, $0x17F  }
0x23: {  	s18 =	smov.u32 @p2 s14  }
0x24: {  	s20 =	smov.u32 s12;
	s14 =	sadd.s32 $0x2, s12;
	p3 =	sgt.s32 s18, $0xC3FF  }
0x25: {  	s20 =	smov.u32 @p3 s14  }
0x26: {  	s17 =	simm.s32 @p2 $0x0;
	p2 =	sgt.s32 s20, $0x1  }
0x27: {  	p1 =	slt.u32 s13, $0x2;
	s20 =	smov.u32 @p2 s2;
	p2 =	sne.s32 s13, s8  }
.Ltmp1:
0x28: {  	s19 =	simm.s32 @!p1 $0x2;
	(pc) =	sbr.rel @!p2 .LBB1_6-.Ltmp1, $4  }
0x29: {  	s15 =	smov.u32 s10;
	s16 =	smov.u32 s11;
	_ =	swait.ge @!p1 [sflag:s19], $0x2000  }
0x2a: {  	p0 =	por !p0, !p0;
	[sflag:s19] =	ssyncset.done @!p1 $0x0;
	s10 =	smov.u32 s17  }
0x2b: {  	s18 =	smov.u32 @p3 s1;
	s14 =	smov.u32 s12;
	[sflag:s19] =	ssyncadd.s32 @!p1 $0xFFFFE000  }
0x2c: {  	s11 =	smov.u32 s18;
	s13 =	sadd.s32 $0x1, s13;
	s12 =	smov.u32 s20  }
.LBB1_1:
0x2d: {  	p1 =	sge.u32 s13, s6  }
0x2e: {  	s17 =	sshrl.u32 @!p1 s11, $0x3  }
0x2f: {  	s18 =	sshll.u32 @!p1 s10, $0x3;
	s17 =	smul.u32 @!p1 $0xC00, s17  }
0x30: {  	s19 =	sshll.u32 @!p1 s11, $0x7;
	s18 =	sand.u32 @!p1 $0xFFFFFC00, s18  }
0x31: {  	s17 =	sadd.s32 @!p1 s17, s18;
	s18 =	sand.u32 @!p1 $0x300, s19;
	s19 =	sshll.u32 @!p1 s10, $0x1  }
0x32: {  	s17 =	sor.u32 @!p1 s18, s17;
	s18 =	sand.u32 @!p1 $0xFE, s19  }
0x33: {  	s17 =	sor.u32 @!p1 s18, s17  }
0x34: {  	s19 =	sand.u32 @!p1 $0x1, s11;
	s18 =	smulhi.u32 @!p1 $0xAAAAAAAB, s17  }
0x35: {  	s17 =	sor.u32 @!p1 s19, s17  }
0x36: {  	s20 =	smulhi.u32 @!p1 $0xAAAAAAAB, s17;
	s18 =	sshrl.u32 @!p1 s18, $0x8  }
0x37: {  	s19 =	smulhi.u32 @!p1 $0x14E5E0B, s18  }
0x38: {  	s20 =	sshrl.u32 @!p1 s20, $0x8  }
0x39: {  	s20 =	smul.u32 @!p1 $0x180, s20;
	s19 =	sshrl.u32 @!p1 s19, $0x8  }
0x3a: {  	s19 =	smul.u32 @!p1 $0xC400, s19  }
0x3b: {  	s31 =	sadd.s32 $0xFFFFFFFF, s13  }
0x3c: {  	s17 =	ssub.s32 @!p1 s17, s20;
	s18 =	ssub.s32 @!p1 s18, s19;
	s19 =	smul.u32 @!p1 $0x126000, s12  }
0x3d: {  	s20 =	sshrl.u32 @!p1 s17, $0x4;
	s17 =	sshll.u32 @!p1 s17, $0x11;
	s18 =	smul.u32 @!p1 $0x18, s18  }
0x3e: {  	s21 =	sxor.u32 @!p1 $0xFFFFFFFF, s13;
	s17 =	sand.u32 @!p1 $0x1C0000, s17;
	s19 =	sadd.s32 @!p1 s4, s19  }
0x3f: {  	s17 =	sor.u32 @!p1 $0x200, s17;
	s18 =	sadd.s32 @!p1 s18, s19;
	s19 =	sshll.u32 @!p1 s21, $0xD  }
0x40: {  	s18 =	sadd.s32 @!p1 s20, s18;
	s19 =	sand.u32 @!p1 $0x2000, s19;
	s20 =	simm.s32 @!p1 $0x600  }
0x41: {  	[tilespmem:s19], [sflag:$0x1] =	stream.strided.gather @!p1 [hbm4b:s18+s17], $0x2000, s20, s17, $0x38;
	[tilespmem:$0x8080] =	vst v63  }
0x42: {  	p1 =	sge.u32 s31, s6  }
.Ltmp2:
0x43: {  	_ = 	snop;
	(pc) =	sbr.rel @p1 .LBB1_5-.Ltmp2, $1  }
0x44: {  	_ =	sdelay $0x3  }
0x45: {  	s17 =	simm.s32 $0x1  }
0x46: {  	_ =	swait.ge [sflag:s5], $0x2000;
	s17 =	simm.s32 @!p0 $0x0  }
0x47: {  	[sflag:s5] =	ssyncset.done $0x0;
	s17 =	sshll.u32 s17, $0xD  }
0x48: {  	[sflag:s5] =	ssyncadd.s32 $0xFFFFE000;
	s17 =	sor.u32 $0x40, s17  }
0x49: {  	v0 =	vld [tilespmem:s17+$0x20]  }
0x4a: {  	v1 =	vld [tilespmem:s17+$0x30]  }
0x4b: {  	v2 =	vld [tilespmem:s17+$0xFFFFFFD0]  }
0x4c: {  	v3 =	vld [tilespmem:s17+$0xFFFFFFE0]  }
0x4d: {  	v4 =	vld [tilespmem:s17+$0xFFFFFFF0]  }
0x4e: {  	s18 =	sand.u32 $0x1, s13;
	v5 =	vld [tilespmem:s17+$0x0]  }
0x4f: {  	s18 =	smul.u32 $0x8100, s18;
	v6 =	vld [tilespmem:s17+$0x10]  }
0x50: {  	s19 =	simm.s32 $0x0;
	s21 =	sadd.s32 $0x80, s17;
	v1 =	vperm.xlane.i2c.b16 v1  }
0x51: {  	s20 =	sand.u32 $0x7C, s19;
	s18 =	sshrl.u32 s18, $0x2;
	v9 =	vld [tilespmem:s21+$0x20];
	v7 =	vperm.xlane.i2c.b16 v0;
	v0 =	vperm.xlane.i2c.b16 v2  }
0x52: {  	s30 =	sand.u32 $0x80, s19;
	s31 =	sshrl.u32 s20, $0x1;
	v8 =	vld [tilespmem:s17+$0xFFFFFFC0];
	s17 =	sor.u32 $0x4000, s18;
	v2 =	vperm.xlane.i2c.b16 v3;
	v4 =	vperm.xlane.i2c.b16 v4  }
0x53: {  	s18 =	sshrl.u32 s30, $0x1;
	s19 =	sadd.s32 s31, s17;
	v11 =	vld [tilespmem:s21+$0x30];
	v5 =	vperm.xlane.i2c.b16 v5;
	v3 =	vcombine.low v7, v1  }
0x54: {  	v12 =	vld [tilespmem:s21+$0xFFFFFFD0];
	s18 =	sadd.s32 s18, s19;
	v13 =	vperm.xlane.i2c.b16 v6;
	v10 =	vcombine.low v2, v4  }
0x55: {  	v1 =	vcombine.high v7, v1;
	v7 =	vld [tilespmem:s21+$0xFFFFFFE0];
	[tilespmem:s18+$0x1830 ss:$0x81] =	vst.msk $0xffff, v3  }
0x56: {  	v6 =	vld [tilespmem:s21+$0xFFFFFFF0];
	v9 =	vperm.xlane.i2c.b16 v9;
	v14 =	vcombine.low v5, v13;
	[tilespmem:s18+$0x810 ss:$0x81] =	vst.msk $0xffff, v10  }
0x57: {  	s19 =	simm.s32 $0x4;
	v3 =	vperm.xlane.i2c.b16 v8;
	[tilespmem:s18+$0x1831 ss:$0x81] =	vst.msk $0xffff, v1;
	v1 =	vcombine.high v2, v4;
	v2 =	vld [tilespmem:s21+$0x0]  }
0x58: {  	s20 =	simm.s32 $0x2;
	s23 =	sand.u32 $0x7C, s19;
	v10 =	vcombine.high v5, v13;
	v8 =	vperm.xlane.i2c.b16 v11;
	[tilespmem:s18+$0x1020 ss:$0x81] =	vst.msk $0xffff, v14;
	v4 =	vld [tilespmem:s21+$0x10]  }
0x59: {  	s22 =	sand.u32 $0x80, s19;
	s23 =	sshrl.u32 s23, $0x1;
	v5 =	vld [tilespmem:s21+$0xFFFFFFC0];
	s21 =	sadd.s32 $0x80, s21;
	v11 =	vcombine.low v3, v0;
	[tilespmem:s18+$0x811 ss:$0x81] =	vst.msk $0xffff, v1;
	v1 =	vperm.xlane.i2c.b16 v12  }
.LBB1_3:
0x5a: {  	v12 =	vld [tilespmem:s21+$0x20];
	s23 =	sadd.s32 s23, s17;
	s22 =	sshrl.u32 s22, $0x1;
	v13 =	vperm.xlane.i2c.b16 v7;
	v7 =	vcombine.low v9, v8;
	[tilespmem:s18+$0x1021 ss:$0x81] =	vst.msk $0xffff, v10  }
0x5b: {  	v10 =	vperm.xlane.i2c.b16 v6;
	v6 =	vcombine.high v9, v8;
	s20 =	sadd.s32 $0x2, s20;
	v14 =	vld [tilespmem:s21+$0x30];
	s22 =	sadd.s32 s22, s23;
	[tilespmem:s18+$0x0 ss:$0x81] =	vst.msk $0xffff, v11  }
0x5c: {  	v8 =	vperm.xlane.i2c.b16 v2;
	v2 =	vcombine.high v3, v0;
	v0 =	vmov v1;
	p1 =	slt.u32 s20, $0x7E;
	v11 =	vld [tilespmem:s21+$0xFFFFFFD0];
	[tilespmem:s22+$0x1830 ss:$0x81] =	vst.msk $0xffff, v7  }
.Ltmp3:
0x5d: {  	v4 =	vperm.xlane.i2c.b16 v4;
	v1 =	vcombine.low v13, v10;
	v7 =	vld [tilespmem:s21+$0xFFFFFFE0];
	[tilespmem:s22+$0x1831 ss:$0x81] =	vst.msk $0xffff, v6;
	(pc) =	sbr.rel @p1 .LBB1_3-.Ltmp3, $4  }
0x5e: {  	v3 =	vperm.xlane.i2c.b16 v5;
	v5 =	vcombine.high v13, v10;
	v6 =	vld [tilespmem:s21+$0xFFFFFFF0];
	[tilespmem:s18+$0x1 ss:$0x81] =	vst.msk $0xffff, v2;
	s18 =	smov.u32 s22  }
0x5f: {  	s19 =	sadd.s32 $0x4, s19;
	v13 =	vcombine.low v8, v4;
	v10 =	vcombine.high v8, v4;
	v2 =	vld [tilespmem:s21+$0x0];
	[tilespmem:s18+$0x810 ss:$0x81] =	vst.msk $0xffff, v1  }
0x60: {  	s23 =	sand.u32 $0x7C, s19;
	v9 =	vperm.xlane.i2c.b16 v12;
	v4 =	vld [tilespmem:s21+$0x10];
	v8 =	vperm.xlane.i2c.b16 v14;
	[tilespmem:s18+$0x811 ss:$0x81] =	vst.msk $0xffff, v5  }
0x61: {  	s23 =	sshrl.u32 s23, $0x1;
	s22 =	sand.u32 $0x80, s19;
	v5 =	vld [tilespmem:s21+$0xFFFFFFC0];
	v1 =	vperm.xlane.i2c.b16 v11;
	s21 =	sadd.s32 $0x80, s21;
	v11 =	vcombine.low v3, v0;
	[tilespmem:s18+$0x1020 ss:$0x81] =	vst.msk $0xffff, v13  }
.Ltmp4:
0x62: {  	_ = 	snop;
	(pc) =	sbr.rel .LBB1_4-.Ltmp4, $1  }
0x63: {  	_ =	sdelay $0x3  }
.LBB1_6:
0x64: {  	_ =	sfence.sel $0x180000  }
0x65: {  	s1 =	simm.s32 $0x1;
	[bflag:$0x0] =	sbarrier.arrive $0xFFFF  }
0x66: {  	s31 =	simm.s32 $0x2;
	[sflag:s1] =	ssyncpa.u1 $0x1  }
0x67: {  	[sflag:s31] =	ssyncpa.u1 $0x1  }
0x68: {  	p0 =	sne.s32 s0, $0x0;
	_ =	strace $0x90000047  }
0x69: {  	s0 =	sadd.s32 @!p0 $0x100000, s3;
	[bflag:$0x2] =	sbarrier.arrive $0xFFFF  }
0x6a: {  	[sflag:s0] =	ssyncadd.tile.s32 @!p0 $0x1;
	_ =	shalt  }
.Lfunc_end1:
_tile_overlayer_lowered:
.L_overlay_start_2:
0x6b: {  	(tag) =	ssettag $0x2  }
0x6c: {  	s0 =	rddreg [dreg:$0x0];
	s2 =	stileid.u32  }
0x6d: {  	s1 =	rddreg [dreg:$0x1];
	p0 =	sne.s32 s2, $0x0  }
0x6e: {  	s3 =	rddreg [dreg:$0x2];
	[bflag:$0x3] =	sbarrier.arrive $0xFFFF;
	s2 =	simm.s32 @!p0 $0x1C01  }
0x6f: {  	[timem:s3], [sflag:s2] =	dma.local @!p0 [hbm:s0], s1  }
0x70: {  	s0 =	simm.s32 @!p0 $0x1  }
0x71: {  	_ =	swait.ge @!p0 [sflag:s0], s1  }
0x72: {  	s1 =	ssub.s32 @!p0 $0x0, s1;
	[sflag:s0] =	ssyncset.done @!p0 $0x0  }
0x73: {  	[sflag:s0] =	ssyncadd.s32 @!p0 s1  }
0x74: {  	[bflag:$0x3] =	sbarrier.arrive $0xFFFF  }
0x75: {  	_ =	shalt  }

</sc_bundles>
